<compile_context>
chip_gen: v7x
topology: tpu7x:2x2x1
jax: 0.10.2.dev20260603
libtpu: 0.0.44.dev20260713+nightly
codegen_flags: <defaults>
</compile_context>

<pallas_src>
import jax
import jax.numpy as jnp
from jax import lax
from jax.experimental import pallas as pl
from jax.experimental.pallas import tpu as pltpu
from jax.experimental.pallas import tpu_sc as plsc

TABLE = 1_000_000
ROWS, COLS = 16384, 100
NC, NS, L = 2, 16, 16
NW = NC * NS
COLS_W = ROWS // NW
G = 128
CCHUNK = 128
NCHUNK = COLS_W // CCHUNK
STG = 62464
UNROLL = 4


def _body(indT_hbm, wT_hbm, outT_hbm, w_sp, idx0, idx1, val0, val1,
          gsem0, gsem1, isem, osem0, osem1):
    cid = lax.axis_index("c")
    sid = lax.axis_index("s")
    wid = sid * NC + cid
    c0 = wid * COLS_W
    idx = [idx0, idx1]
    val = [val0, val1]
    gsem = [gsem0, gsem1]
    osem = [osem0, osem1]

    def cols(k):
        return pl.ds(c0 + k * CCHUNK, CCHUNK)

    pltpu.async_copy(indT_hbm.at[:, cols(0)], idx[0], isem)

    @pl.when(sid < NS - 1)
    def _stage():
        s = pl.ds(sid * STG, STG)
        pltpu.sync_copy(wT_hbm.at[:, s], w_sp.at[:, s])

    @pl.when(sid == NS - 1)
    def _stage_last():
        s = pl.ds((NS - 1) * STG, TABLE - (NS - 1) * STG)
        pltpu.sync_copy(wT_hbm.at[:, s], w_sp.at[:, s])

    plsc.subcore_barrier()

    w_flat = w_sp.at[0]
    lo = jnp.float32(1e-12)
    hi = jnp.float32(1.0)

    def fire_gathers(k):
        b = k % 2

        def gather(r, _):
            pltpu.async_copy(w_flat.at[idx[b].at[r]], val[b].at[r], gsem[b])
            return 0

        lax.fori_loop(0, COLS, gather, 0)

    def drain_gathers(k):
        b = k % 2

        def drain(i, _):
            for j in range(UNROLL):
                pltpu.make_async_copy(
                    w_flat.at[idx[b].at[i * UNROLL + j]], val[b].at[i * UNROLL + j], gsem[b]
                ).wait()
            return 0

        lax.fori_loop(0, COLS // UNROLL, drain, 0)

    def clamp_chunk(k):
        b = k % 2

        def clamp(i, _):
            r = i // 2
            cbase = (i % 2) * (UNROLL * L)
            for j in range(UNROLL):
                sl = pl.ds(cbase + j * L, L)
                val[b][r, sl] = jnp.minimum(jnp.maximum(val[b][r, sl], lo), hi)
            return 0

        lax.fori_loop(0, COLS * 2, clamp, 0)

    pltpu.make_async_copy(indT_hbm.at[:, cols(0)], idx[0], isem).wait()
    fire_gathers(0)
    pltpu.async_copy(indT_hbm.at[:, cols(1)], idx[1], isem)

    for k in range(NCHUNK):
        b = k % 2
        if k + 1 < NCHUNK:
            if k >= 1:
                pltpu.make_async_copy(
                    val[1 - b], outT_hbm.at[:, cols(k - 1)], osem[1 - b]
                ).wait()
            pltpu.make_async_copy(
                indT_hbm.at[:, cols(k + 1)], idx[1 - b], isem
            ).wait()
            fire_gathers(k + 1)
        drain_gathers(k)
        if k + 2 < NCHUNK:
            pltpu.async_copy(indT_hbm.at[:, cols(k + 2)], idx[b], isem)
        clamp_chunk(k)
        pltpu.async_copy(val[b], outT_hbm.at[:, cols(k)], osem[b])

    for kl in (NCHUNK - 2, NCHUNK - 1):
        pltpu.make_async_copy(
            val[kl % 2], outT_hbm.at[:, cols(kl)], osem[kl % 2]
        ).wait()


def kernel(ind, w):
    indT = jnp.swapaxes(ind.astype(jnp.int32), 0, 1)
    wT = jnp.swapaxes(w, 0, 1)
    mesh = plsc.VectorSubcoreMesh(core_axis_name="c", subcore_axis_name="s")
    outT = pl.kernel(
        _body,
        out_type=jax.ShapeDtypeStruct((COLS, ROWS), jnp.float32),
        mesh=mesh,
        scratch_types=[
            pltpu.VMEM_SHARED((1, TABLE), jnp.float32),
            pltpu.VMEM((COLS, CCHUNK), jnp.int32),
            pltpu.VMEM((COLS, CCHUNK), jnp.int32),
            pltpu.VMEM((COLS, CCHUNK), jnp.float32),
            pltpu.VMEM((COLS, CCHUNK), jnp.float32),
            pltpu.SemaphoreType.DMA,
            pltpu.SemaphoreType.DMA,
            pltpu.SemaphoreType.DMA,
            pltpu.SemaphoreType.DMA,
            pltpu.SemaphoreType.DMA,
        ],
    )(indT, wT)
    return jnp.swapaxes(outT, 0, 1)

# --- scband reference (transcript-rebuilt; emitter-appended) ---
"""Pipeline reference for scband-probability-model-5540507811975 (READ-ONLY COPY).

The authoritative reference and input builder live on the scoring server;
editing this copy changes nothing except your own understanding.
"""

import jax, jax.numpy as jnp
import numpy as np

SIZE = 1000000

def setup_inputs(seed: int = 0) -> dict:
    key = jax.random.key(seed)
    k_ind, k_w = jax.random.split(key)
    ind = jax.random.randint(k_ind, (16384, 100), 0, SIZE, dtype=jnp.int64)
    w = jax.random.uniform(k_w, (SIZE, 1), dtype=jnp.float32)
    return {"ind": ind, "w": w}

def reference(ind, w):
    # P = self.w[ind, 0]
    P = w[ind, 0]
    # torch.clamp(P, min=1e-12, max=1)
    P = jnp.clip(P, 1e-12, 1.0)
    return P

if __name__ == "__main__":
    import jax
    _d = setup_inputs()
    print(jax.jit(kernel)(*tuple(_d.values())))

</pallas_src>

<mosaic_0001>
#map = affine_map<(d0, d1) -> (0, 0)>
module attributes {stable_mosaic.version = 14 : i64} {
  func.func @_body(%arg0: i32, %arg1: i32, %arg2: memref<100x16384xi32, #tpu.memory_space<hbm>>, %arg3: memref<1x1000000xf32, #tpu.memory_space<hbm>>, %arg4: memref<100x16384xf32, #tpu.memory_space<hbm>>, %arg5: memref<1x1000000xf32, #tpu.memory_space<vmem_shared>>, %arg6: memref<100x128xi32, #tpu.memory_space<vmem>>, %arg7: memref<100x128xi32, #tpu.memory_space<vmem>>, %arg8: memref<100x128xf32, #tpu.memory_space<vmem>>, %arg9: memref<100x128xf32, #tpu.memory_space<vmem>>, %arg10: memref<!tpu.dma_semaphore, #tpu.memory_space<semaphore_mem>>, %arg11: memref<!tpu.dma_semaphore, #tpu.memory_space<semaphore_mem>>, %arg12: memref<!tpu.dma_semaphore, #tpu.memory_space<semaphore_mem>>, %arg13: memref<!tpu.dma_semaphore, #tpu.memory_space<semaphore_mem>>, %arg14: memref<!tpu.dma_semaphore, #tpu.memory_space<semaphore_mem>>) attributes {dimension_semantics = [#tpu.dimension_semantics<core_parallel>, #tpu.dimension_semantics<subcore_parallel>], iteration_bounds = array<i64: 2, 16>, scalar_prefetch = 0 : i64, scratch_operands = 10 : i64, tpu.core_type = #tpu.core_type<sc_vector_subcore>, window_params = [{transform_indices = #map}, {transform_indices = #map}, {transform_indices = #map}]} {
    %mul3A = arith.constant 2 : i32
    %mul3A_0 = arith.muli %arg1, %mul3A : i32
    %add3A = arith.addi %mul3A_0, %arg0 : i32
    %mul3A_1 = arith.constant 512 : i32
    %mul3A_2 = arith.muli %add3A, %mul3A_1 : i32
    %add3A_3 = arith.constant 0 : i32
    %add3A_4 = arith.addi %mul3A_2, %add3A_3 : i32
    %dma_start3A = arith.constant 0 : i32
    %dma_start3A_5 = tpu.memref_slice %arg2[%dma_start3A, %add3A_4] : memref<100x16384xi32, #tpu.memory_space<hbm>> -> memref<100x128xi32, #tpu.memory_space<hbm>>
    %dma_start3A_6 = arith.constant 0 : i32
    %dma_start3A_7 = tpu.memref_slice %arg2[%dma_start3A_6, %add3A_4] : memref<100x16384xi32, #tpu.memory_space<hbm>> -> memref<100x128xi32, #tpu.memory_space<hbm>>
    tpu.enqueue_dma source(%dma_start3A_7 : memref<100x128xi32, #tpu.memory_space<hbm>>) target(%arg6 : memref<100x128xi32, #tpu.memory_space<vmem>>) target_semaphore(%arg12 : memref<!tpu.dma_semaphore, #tpu.memory_space<semaphore_mem>>)
    %lt3A = arith.constant 15 : i32
    %lt3A_8 = arith.cmpi slt, %arg1, %lt3A : i32
    %convert_element_type3A = arith.extui %lt3A_8 : i1 to i32
    %cond3A = arith.constant 0 : i32
    %cond3A_9 = arith.cmpi ne, %convert_element_type3A, %cond3A : i32
    scf.if %cond3A_9 {
      %mul3A_202 = arith.constant 62464 : i32
      %mul3A_203 = arith.muli %arg1, %mul3A_202 : i32
      "tpu.region"() ({
        %run_scoped3A = tpu.sem_alloc : memref<!tpu.dma_semaphore, #tpu.memory_space<semaphore_mem>>
        %dma_start3A_204 = arith.constant 0 : i32
        %dma_start3A_205 = tpu.memref_slice %arg5[%dma_start3A_204, %mul3A_203] : memref<1x1000000xf32, #tpu.memory_space<vmem_shared>> -> memref<1x62464xf32, #tpu.memory_space<vmem_shared>>
        %dma_start3A_206 = arith.constant 0 : i32
        %dma_start3A_207 = tpu.memref_slice %arg3[%dma_start3A_206, %mul3A_203] : memref<1x1000000xf32, #tpu.memory_space<hbm>> -> memref<1x62464xf32, #tpu.memory_space<hbm>>
        tpu.enqueue_dma source(%dma_start3A_207 : memref<1x62464xf32, #tpu.memory_space<hbm>>) target(%dma_start3A_205 : memref<1x62464xf32, #tpu.memory_space<vmem_shared>>) target_semaphore(%run_scoped3A : memref<!tpu.dma_semaphore, #tpu.memory_space<semaphore_mem>>)
        %dma_wait3A_208 = arith.constant 0 : i32
        %dma_wait3A_209 = tpu.memref_slice %arg5[%dma_wait3A_208, %mul3A_203] : memref<1x1000000xf32, #tpu.memory_space<vmem_shared>> -> memref<1x62464xf32, #tpu.memory_space<vmem_shared>>
        %dma_wait3A_210 = arith.constant 0 : i32
        %dma_wait3A_211 = tpu.memref_slice %arg3[%dma_wait3A_210, %mul3A_203] : memref<1x1000000xf32, #tpu.memory_space<hbm>> -> memref<1x62464xf32, #tpu.memory_space<hbm>>
        tpu.wait_dma2 semaphore(%run_scoped3A : memref<!tpu.dma_semaphore, #tpu.memory_space<semaphore_mem>>) src(%dma_wait3A_211 : memref<1x62464xf32, #tpu.memory_space<hbm>>) dst(%dma_wait3A_209 : memref<1x62464xf32, #tpu.memory_space<vmem_shared>>)
        tpu.yield
      }) : () -> ()
    } else {
    }
    %eq3A = arith.constant 15 : i32
    %eq3A_10 = arith.cmpi eq, %arg1, %eq3A : i32
    %convert_element_type3A_11 = arith.extui %eq3A_10 : i1 to i32
    %cond3A_12 = arith.constant 0 : i32
    %cond3A_13 = arith.cmpi ne, %convert_element_type3A_11, %cond3A_12 : i32
    scf.if %cond3A_13 {
      "tpu.region"() ({
        %run_scoped3A = tpu.sem_alloc : memref<!tpu.dma_semaphore, #tpu.memory_space<semaphore_mem>>
        %dma_start3A_202 = arith.constant 0 : i32
        %dma_start3A_203 = arith.constant 936960 : i32
        %dma_start3A_204 = tpu.memref_slice %arg5[%dma_start3A_202, %dma_start3A_203] : memref<1x1000000xf32, #tpu.memory_space<vmem_shared>> -> memref<1x63040xf32, #tpu.memory_space<vmem_shared>>
        %dma_start3A_205 = arith.constant 0 : i32
        %dma_start3A_206 = arith.constant 936960 : i32
        %dma_start3A_207 = tpu.memref_slice %arg3[%dma_start3A_205, %dma_start3A_206] : memref<1x1000000xf32, #tpu.memory_space<hbm>> -> memref<1x63040xf32, #tpu.memory_space<hbm>>
        tpu.enqueue_dma source(%dma_start3A_207 : memref<1x63040xf32, #tpu.memory_space<hbm>>) target(%dma_start3A_204 : memref<1x63040xf32, #tpu.memory_space<vmem_shared>>) target_semaphore(%run_scoped3A : memref<!tpu.dma_semaphore, #tpu.memory_space<semaphore_mem>>)
        %dma_wait3A_208 = arith.constant 0 : i32
        %dma_wait3A_209 = arith.constant 936960 : i32
        %dma_wait3A_210 = tpu.memref_slice %arg5[%dma_wait3A_208, %dma_wait3A_209] : memref<1x1000000xf32, #tpu.memory_space<vmem_shared>> -> memref<1x63040xf32, #tpu.memory_space<vmem_shared>>
        %dma_wait3A_211 = arith.constant 0 : i32
        %dma_wait3A_212 = arith.constant 936960 : i32
        %dma_wait3A_213 = tpu.memref_slice %arg3[%dma_wait3A_211, %dma_wait3A_212] : memref<1x1000000xf32, #tpu.memory_space<hbm>> -> memref<1x63040xf32, #tpu.memory_space<hbm>>
        tpu.wait_dma2 semaphore(%run_scoped3A : memref<!tpu.dma_semaphore, #tpu.memory_space<semaphore_mem>>) src(%dma_wait3A_213 : memref<1x63040xf32, #tpu.memory_space<hbm>>) dst(%dma_wait3A_210 : memref<1x63040xf32, #tpu.memory_space<vmem_shared>>)
        tpu.yield
      }) : () -> ()
    } else {
    }
    %barrier3A = arith.constant 0 : index
    tpu.barrier barrier_id(%barrier3A)
    %add3A_14 = arith.constant 0 : i32
    %add3A_15 = arith.addi %mul3A_2, %add3A_14 : i32
    %dma_wait3A = arith.constant 0 : i32
    %dma_wait3A_16 = tpu.memref_slice %arg2[%dma_wait3A, %add3A_15] : memref<100x16384xi32, #tpu.memory_space<hbm>> -> memref<100x128xi32, #tpu.memory_space<hbm>>
    %dma_wait3A_17 = arith.constant 0 : i32
    %dma_wait3A_18 = tpu.memref_slice %arg2[%dma_wait3A_17, %add3A_15] : memref<100x16384xi32, #tpu.memory_space<hbm>> -> memref<100x128xi32, #tpu.memory_space<hbm>>
    tpu.wait_dma2 semaphore(%arg12 : memref<!tpu.dma_semaphore, #tpu.memory_space<semaphore_mem>>) src(%dma_wait3A_18 : memref<100x128xi32, #tpu.memory_space<hbm>>) dst(%arg6 : memref<100x128xi32, #tpu.memory_space<vmem>>)
    %scan3A = arith.constant 0 : i32
    %scan3A_19 = arith.constant 0 : i32
    %scan3A_20 = arith.constant 0 : i32
    %scan3A_21 = arith.constant 100 : i32
    %scan3A_22 = arith.addi %scan3A_20, %scan3A_21 : i32
    %scan3A_23 = arith.constant 1 : i32
    %scan3A_24 = scf.for %scan3A_202 = %scan3A_20 to %scan3A_22 step %scan3A_23 iter_args(%scan3A_203 = %scan3A_19) -> (i32)  : i32 {
      %dma_start3A_204 = arith.constant 0 : i32
      %dma_start3A_205 = tpu.memref_slice %arg8[%scan3A_202, %dma_start3A_204] : memref<100x128xf32, #tpu.memory_space<vmem>> -> memref<1x128xf32, #tpu.memory_space<vmem>>
      %dma_start3A_206 = tpu.memref_squeeze %dma_start3A_205 : memref<1x128xf32, #tpu.memory_space<vmem>> -> memref<128xf32, #tpu.memory_space<vmem>>
      %dma_start3A_207 = arith.constant 0 : i32
      %dma_start3A_208 = tpu.memref_slice %arg6[%scan3A_202, %dma_start3A_207] : memref<100x128xi32, #tpu.memory_space<vmem>> -> memref<1x128xi32, #tpu.memory_space<vmem>>
      %dma_start3A_209 = tpu.memref_squeeze %dma_start3A_208 : memref<1x128xi32, #tpu.memory_space<vmem>> -> memref<128xi32, #tpu.memory_space<vmem>>
      %dma_start3A_210 = arith.constant 0 : i32
      %dma_start3A_211 = tpu.memref_slice %arg5[%scan3A, %dma_start3A_210] : memref<1x1000000xf32, #tpu.memory_space<vmem_shared>> -> memref<1x1000000xf32, #tpu.memory_space<vmem_shared>>
      %dma_start3A_212 = tpu.memref_squeeze %dma_start3A_211 : memref<1x1000000xf32, #tpu.memory_space<vmem_shared>> -> memref<1000000xf32, #tpu.memory_space<vmem_shared>>
      %dma_start3A_213 = arith.constant 0 : i32
      %dma_start3A_214 = tpu.memref_slice %dma_start3A_212[%dma_start3A_213] : memref<1000000xf32, #tpu.memory_space<vmem_shared>> -> memref<1000000xf32, #tpu.memory_space<vmem_shared>>
      tpu.enqueue_indirect_dma source(%dma_start3A_214 : memref<1000000xf32, #tpu.memory_space<vmem_shared>>) target(%dma_start3A_206 : memref<128xf32, #tpu.memory_space<vmem>>) offsets(%dma_start3A_209 : memref<128xi32, #tpu.memory_space<vmem>>) semaphore(%arg10 : memref<!tpu.dma_semaphore, #tpu.memory_space<semaphore_mem>>)
      %scan3A_215 = arith.constant 0 : i32
      scf.yield %scan3A_215 : i32
    }
    %scan3A_25 = arith.constant 100 : i32
    %add3A_26 = arith.constant 128 : i32
    %add3A_27 = arith.addi %mul3A_2, %add3A_26 : i32
    %dma_start3A_28 = arith.constant 0 : i32
    %dma_start3A_29 = tpu.memref_slice %arg2[%dma_start3A_28, %add3A_27] : memref<100x16384xi32, #tpu.memory_space<hbm>> -> memref<100x128xi32, #tpu.memory_space<hbm>>
    %dma_start3A_30 = arith.constant 0 : i32
    %dma_start3A_31 = tpu.memref_slice %arg2[%dma_start3A_30, %add3A_27] : memref<100x16384xi32, #tpu.memory_space<hbm>> -> memref<100x128xi32, #tpu.memory_space<hbm>>
    tpu.enqueue_dma source(%dma_start3A_31 : memref<100x128xi32, #tpu.memory_space<hbm>>) target(%arg7 : memref<100x128xi32, #tpu.memory_space<vmem>>) target_semaphore(%arg12 : memref<!tpu.dma_semaphore, #tpu.memory_space<semaphore_mem>>)
    %add3A_32 = arith.constant 128 : i32
    %add3A_33 = arith.addi %mul3A_2, %add3A_32 : i32
    %dma_wait3A_34 = arith.constant 0 : i32
    %dma_wait3A_35 = tpu.memref_slice %arg2[%dma_wait3A_34, %add3A_33] : memref<100x16384xi32, #tpu.memory_space<hbm>> -> memref<100x128xi32, #tpu.memory_space<hbm>>
    %dma_wait3A_36 = arith.constant 0 : i32
    %dma_wait3A_37 = tpu.memref_slice %arg2[%dma_wait3A_36, %add3A_33] : memref<100x16384xi32, #tpu.memory_space<hbm>> -> memref<100x128xi32, #tpu.memory_space<hbm>>
    tpu.wait_dma2 semaphore(%arg12 : memref<!tpu.dma_semaphore, #tpu.memory_space<semaphore_mem>>) src(%dma_wait3A_37 : memref<100x128xi32, #tpu.memory_space<hbm>>) dst(%arg7 : memref<100x128xi32, #tpu.memory_space<vmem>>)
    %scan3A_38 = arith.constant 0 : i32
    %scan3A_39 = arith.constant 0 : i32
    %scan3A_40 = arith.constant 0 : i32
    %scan3A_41 = arith.constant 100 : i32
    %scan3A_42 = arith.addi %scan3A_40, %scan3A_41 : i32
    %scan3A_43 = arith.constant 1 : i32
    %scan3A_44 = scf.for %scan3A_202 = %scan3A_40 to %scan3A_42 step %scan3A_43 iter_args(%scan3A_203 = %scan3A_39) -> (i32)  : i32 {
      %dma_start3A_204 = arith.constant 0 : i32
      %dma_start3A_205 = tpu.memref_slice %arg9[%scan3A_202, %dma_start3A_204] : memref<100x128xf32, #tpu.memory_space<vmem>> -> memref<1x128xf32, #tpu.memory_space<vmem>>
      %dma_start3A_206 = tpu.memref_squeeze %dma_start3A_205 : memref<1x128xf32, #tpu.memory_space<vmem>> -> memref<128xf32, #tpu.memory_space<vmem>>
      %dma_start3A_207 = arith.constant 0 : i32
      %dma_start3A_208 = tpu.memref_slice %arg7[%scan3A_202, %dma_start3A_207] : memref<100x128xi32, #tpu.memory_space<vmem>> -> memref<1x128xi32, #tpu.memory_space<vmem>>
      %dma_start3A_209 = tpu.memref_squeeze %dma_start3A_208 : memref<1x128xi32, #tpu.memory_space<vmem>> -> memref<128xi32, #tpu.memory_space<vmem>>
      %dma_start3A_210 = arith.constant 0 : i32
      %dma_start3A_211 = tpu.memref_slice %arg5[%scan3A_38, %dma_start3A_210] : memref<1x1000000xf32, #tpu.memory_space<vmem_shared>> -> memref<1x1000000xf32, #tpu.memory_space<vmem_shared>>
      %dma_start3A_212 = tpu.memref_squeeze %dma_start3A_211 : memref<1x1000000xf32, #tpu.memory_space<vmem_shared>> -> memref<1000000xf32, #tpu.memory_space<vmem_shared>>
      %dma_start3A_213 = arith.constant 0 : i32
      %dma_start3A_214 = tpu.memref_slice %dma_start3A_212[%dma_start3A_213] : memref<1000000xf32, #tpu.memory_space<vmem_shared>> -> memref<1000000xf32, #tpu.memory_space<vmem_shared>>
      tpu.enqueue_indirect_dma source(%dma_start3A_214 : memref<1000000xf32, #tpu.memory_space<vmem_shared>>) target(%dma_start3A_206 : memref<128xf32, #tpu.memory_space<vmem>>) offsets(%dma_start3A_209 : memref<128xi32, #tpu.memory_space<vmem>>) semaphore(%arg11 : memref<!tpu.dma_semaphore, #tpu.memory_space<semaphore_mem>>)
      %scan3A_215 = arith.constant 0 : i32
      scf.yield %scan3A_215 : i32
    }
    %scan3A_45 = arith.constant 100 : i32
    %scan3A_46 = arith.constant 0 : i32
    %scan3A_47 = arith.constant 0 : i32
    %scan3A_48 = arith.constant 0 : i32
    %scan3A_49 = arith.constant 25 : i32
    %scan3A_50 = arith.addi %scan3A_48, %scan3A_49 : i32
    %scan3A_51 = arith.constant 1 : i32
    %scan3A_52 = scf.for %scan3A_202 = %scan3A_48 to %scan3A_50 step %scan3A_51 iter_args(%scan3A_203 = %scan3A_47) -> (i32)  : i32 {
      %mul3A_204 = arith.constant 4 : i32
      %mul3A_205 = arith.muli %scan3A_202, %mul3A_204 : i32
      %add3A_206 = arith.constant 0 : i32
      %add3A_207 = arith.addi %mul3A_205, %add3A_206 : i32
      %mul3A_208 = arith.constant 4 : i32
      %mul3A_209 = arith.muli %scan3A_202, %mul3A_208 : i32
      %add3A_210 = arith.constant 0 : i32
      %add3A_211 = arith.addi %mul3A_209, %add3A_210 : i32
      %dma_wait3A_212 = arith.constant 0 : i32
      %dma_wait3A_213 = tpu.memref_slice %arg8[%add3A_211, %dma_wait3A_212] : memref<100x128xf32, #tpu.memory_space<vmem>> -> memref<1x128xf32, #tpu.memory_space<vmem>>
      %dma_wait3A_214 = tpu.memref_squeeze %dma_wait3A_213 : memref<1x128xf32, #tpu.memory_space<vmem>> -> memref<128xf32, #tpu.memory_space<vmem>>
      %dma_wait3A_215 = arith.constant 0 : i32
      %dma_wait3A_216 = tpu.memref_slice %arg6[%add3A_207, %dma_wait3A_215] : memref<100x128xi32, #tpu.memory_space<vmem>> -> memref<1x128xi32, #tpu.memory_space<vmem>>
      %dma_wait3A_217 = tpu.memref_squeeze %dma_wait3A_216 : memref<1x128xi32, #tpu.memory_space<vmem>> -> memref<128xi32, #tpu.memory_space<vmem>>
      %dma_wait3A_218 = arith.constant 0 : i32
      %dma_wait3A_219 = tpu.memref_slice %arg5[%scan3A_46, %dma_wait3A_218] : memref<1x1000000xf32, #tpu.memory_space<vmem_shared>> -> memref<1x1000000xf32, #tpu.memory_space<vmem_shared>>
      %dma_wait3A_220 = tpu.memref_squeeze %dma_wait3A_219 : memref<1x1000000xf32, #tpu.memory_space<vmem_shared>> -> memref<1000000xf32, #tpu.memory_space<vmem_shared>>
      %dma_wait3A_221 = arith.constant 0 : i32
      %dma_wait3A_222 = tpu.memref_slice %dma_wait3A_220[%dma_wait3A_221] : memref<1000000xf32, #tpu.memory_space<vmem_shared>> -> memref<1000000xf32, #tpu.memory_space<vmem_shared>>
      tpu.wait_indirect_dma semaphore(%arg10 : memref<!tpu.dma_semaphore, #tpu.memory_space<semaphore_mem>>) src(%dma_wait3A_222 : memref<1000000xf32, #tpu.memory_space<vmem_shared>>) dst(%dma_wait3A_214 : memref<128xf32, #tpu.memory_space<vmem>>)
      %mul3A_223 = arith.constant 4 : i32
      %mul3A_224 = arith.muli %scan3A_202, %mul3A_223 : i32
      %add3A_225 = arith.constant 1 : i32
      %add3A_226 = arith.addi %mul3A_224, %add3A_225 : i32
      %mul3A_227 = arith.constant 4 : i32
      %mul3A_228 = arith.muli %scan3A_202, %mul3A_227 : i32
      %add3A_229 = arith.constant 1 : i32
      %add3A_230 = arith.addi %mul3A_228, %add3A_229 : i32
      %dma_wait3A_231 = arith.constant 0 : i32
      %dma_wait3A_232 = tpu.memref_slice %arg8[%add3A_230, %dma_wait3A_231] : memref<100x128xf32, #tpu.memory_space<vmem>> -> memref<1x128xf32, #tpu.memory_space<vmem>>
      %dma_wait3A_233 = tpu.memref_squeeze %dma_wait3A_232 : memref<1x128xf32, #tpu.memory_space<vmem>> -> memref<128xf32, #tpu.memory_space<vmem>>
      %dma_wait3A_234 = arith.constant 0 : i32
      %dma_wait3A_235 = tpu.memref_slice %arg6[%add3A_226, %dma_wait3A_234] : memref<100x128xi32, #tpu.memory_space<vmem>> -> memref<1x128xi32, #tpu.memory_space<vmem>>
      %dma_wait3A_236 = tpu.memref_squeeze %dma_wait3A_235 : memref<1x128xi32, #tpu.memory_space<vmem>> -> memref<128xi32, #tpu.memory_space<vmem>>
      %dma_wait3A_237 = arith.constant 0 : i32
      %dma_wait3A_238 = tpu.memref_slice %arg5[%scan3A_46, %dma_wait3A_237] : memref<1x1000000xf32, #tpu.memory_space<vmem_shared>> -> memref<1x1000000xf32, #tpu.memory_space<vmem_shared>>
      %dma_wait3A_239 = tpu.memref_squeeze %dma_wait3A_238 : memref<1x1000000xf32, #tpu.memory_space<vmem_shared>> -> memref<1000000xf32, #tpu.memory_space<vmem_shared>>
      %dma_wait3A_240 = arith.constant 0 : i32
      %dma_wait3A_241 = tpu.memref_slice %dma_wait3A_239[%dma_wait3A_240] : memref<1000000xf32, #tpu.memory_space<vmem_shared>> -> memref<1000000xf32, #tpu.memory_space<vmem_shared>>
      tpu.wait_indirect_dma semaphore(%arg10 : memref<!tpu.dma_semaphore, #tpu.memory_space<semaphore_mem>>) src(%dma_wait3A_241 : memref<1000000xf32, #tpu.memory_space<vmem_shared>>) dst(%dma_wait3A_233 : memref<128xf32, #tpu.memory_space<vmem>>)
      %mul3A_242 = arith.constant 4 : i32
      %mul3A_243 = arith.muli %scan3A_202, %mul3A_242 : i32
      %add3A_244 = arith.constant 2 : i32
      %add3A_245 = arith.addi %mul3A_243, %add3A_244 : i32
      %mul3A_246 = arith.constant 4 : i32
      %mul3A_247 = arith.muli %scan3A_202, %mul3A_246 : i32
      %add3A_248 = arith.constant 2 : i32
      %add3A_249 = arith.addi %mul3A_247, %add3A_248 : i32
      %dma_wait3A_250 = arith.constant 0 : i32
      %dma_wait3A_251 = tpu.memref_slice %arg8[%add3A_249, %dma_wait3A_250] : memref<100x128xf32, #tpu.memory_space<vmem>> -> memref<1x128xf32, #tpu.memory_space<vmem>>
      %dma_wait3A_252 = tpu.memref_squeeze %dma_wait3A_251 : memref<1x128xf32, #tpu.memory_space<vmem>> -> memref<128xf32, #tpu.memory_space<vmem>>
      %dma_wait3A_253 = arith.constant 0 : i32
      %dma_wait3A_254 = tpu.memref_slice %arg6[%add3A_245, %dma_wait3A_253] : memref<100x128xi32, #tpu.memory_space<vmem>> -> memref<1x128xi32, #tpu.memory_space<vmem>>
      %dma_wait3A_255 = tpu.memref_squeeze %dma_wait3A_254 : memref<1x128xi32, #tpu.memory_space<vmem>> -> memref<128xi32, #tpu.memory_space<vmem>>
      %dma_wait3A_256 = arith.constant 0 : i32
      %dma_wait3A_257 = tpu.memref_slice %arg5[%scan3A_46, %dma_wait3A_256] : memref<1x1000000xf32, #tpu.memory_space<vmem_shared>> -> memref<1x1000000xf32, #tpu.memory_space<vmem_shared>>
      %dma_wait3A_258 = tpu.memref_squeeze %dma_wait3A_257 : memref<1x1000000xf32, #tpu.memory_space<vmem_shared>> -> memref<1000000xf32, #tpu.memory_space<vmem_shared>>
      %dma_wait3A_259 = arith.constant 0 : i32
      %dma_wait3A_260 = tpu.memref_slice %dma_wait3A_258[%dma_wait3A_259] : memref<1000000xf32, #tpu.memory_space<vmem_shared>> -> memref<1000000xf32, #tpu.memory_space<vmem_shared>>
      tpu.wait_indirect_dma semaphore(%arg10 : memref<!tpu.dma_semaphore, #tpu.memory_space<semaphore_mem>>) src(%dma_wait3A_260 : memref<1000000xf32, #tpu.memory_space<vmem_shared>>) dst(%dma_wait3A_252 : memref<128xf32, #tpu.memory_space<vmem>>)
      %mul3A_261 = arith.constant 4 : i32
      %mul3A_262 = arith.muli %scan3A_202, %mul3A_261 : i32
      %add3A_263 = arith.constant 3 : i32
      %add3A_264 = arith.addi %mul3A_262, %add3A_263 : i32
      %mul3A_265 = arith.constant 4 : i32
      %mul3A_266 = arith.muli %scan3A_202, %mul3A_265 : i32
      %add3A_267 = arith.constant 3 : i32
      %add3A_268 = arith.addi %mul3A_266, %add3A_267 : i32
      %dma_wait3A_269 = arith.constant 0 : i32
      %dma_wait3A_270 = tpu.memref_slice %arg8[%add3A_268, %dma_wait3A_269] : memref<100x128xf32, #tpu.memory_space<vmem>> -> memref<1x128xf32, #tpu.memory_space<vmem>>
      %dma_wait3A_271 = tpu.memref_squeeze %dma_wait3A_270 : memref<1x128xf32, #tpu.memory_space<vmem>> -> memref<128xf32, #tpu.memory_space<vmem>>
      %dma_wait3A_272 = arith.constant 0 : i32
      %dma_wait3A_273 = tpu.memref_slice %arg6[%add3A_264, %dma_wait3A_272] : memref<100x128xi32, #tpu.memory_space<vmem>> -> memref<1x128xi32, #tpu.memory_space<vmem>>
      %dma_wait3A_274 = tpu.memref_squeeze %dma_wait3A_273 : memref<1x128xi32, #tpu.memory_space<vmem>> -> memref<128xi32, #tpu.memory_space<vmem>>
      %dma_wait3A_275 = arith.constant 0 : i32
      %dma_wait3A_276 = tpu.memref_slice %arg5[%scan3A_46, %dma_wait3A_275] : memref<1x1000000xf32, #tpu.memory_space<vmem_shared>> -> memref<1x1000000xf32, #tpu.memory_space<vmem_shared>>
      %dma_wait3A_277 = tpu.memref_squeeze %dma_wait3A_276 : memref<1x1000000xf32, #tpu.memory_space<vmem_shared>> -> memref<1000000xf32, #tpu.memory_space<vmem_shared>>
      %dma_wait3A_278 = arith.constant 0 : i32
      %dma_wait3A_279 = tpu.memref_slice %dma_wait3A_277[%dma_wait3A_278] : memref<1000000xf32, #tpu.memory_space<vmem_shared>> -> memref<1000000xf32, #tpu.memory_space<vmem_shared>>
      tpu.wait_indirect_dma semaphore(%arg10 : memref<!tpu.dma_semaphore, #tpu.memory_space<semaphore_mem>>) src(%dma_wait3A_279 : memref<1000000xf32, #tpu.memory_space<vmem_shared>>) dst(%dma_wait3A_271 : memref<128xf32, #tpu.memory_space<vmem>>)
      %scan3A_280 = arith.constant 0 : i32
      scf.yield %scan3A_280 : i32
    }
    %scan3A_53 = arith.constant 25 : i32
    %add3A_54 = arith.constant 256 : i32
    %add3A_55 = arith.addi %mul3A_2, %add3A_54 : i32
    %dma_start3A_56 = arith.constant 0 : i32
    %dma_start3A_57 = tpu.memref_slice %arg2[%dma_start3A_56, %add3A_55] : memref<100x16384xi32, #tpu.memory_space<hbm>> -> memref<100x128xi32, #tpu.memory_space<hbm>>
    %dma_start3A_58 = arith.constant 0 : i32
    %dma_start3A_59 = tpu.memref_slice %arg2[%dma_start3A_58, %add3A_55] : memref<100x16384xi32, #tpu.memory_space<hbm>> -> memref<100x128xi32, #tpu.memory_space<hbm>>
    tpu.enqueue_dma source(%dma_start3A_59 : memref<100x128xi32, #tpu.memory_space<hbm>>) target(%arg6 : memref<100x128xi32, #tpu.memory_space<vmem>>) target_semaphore(%arg12 : memref<!tpu.dma_semaphore, #tpu.memory_space<semaphore_mem>>)
    %scan3A_60 = arith.constant 9.99999996E-13 : f32
    %scan3A_61 = arith.constant 1.000000e+00 : f32
    %scan3A_62 = arith.constant 0 : i32
    %scan3A_63 = arith.constant 0 : i32
    %scan3A_64 = arith.constant 200 : i32
    %scan3A_65 = arith.addi %scan3A_63, %scan3A_64 : i32
    %scan3A_66 = arith.constant 1 : i32
    %scan3A_67 = scf.for %scan3A_202 = %scan3A_63 to %scan3A_65 step %scan3A_66 iter_args(%scan3A_203 = %scan3A_62) -> (i32)  : i32 {
      %jit3A = arith.constant 2 : i32
      %div3A = arith.divsi %scan3A_202, %jit3A : i32
      %sign3A = arith.constant 0 : i32
      %sign3A_204 = arith.cmpi sgt, %scan3A_202, %sign3A : i32
      %sign3A_205 = arith.extui %sign3A_204 : i1 to i32
      %sign3A_206 = arith.constant 0 : i32
      %sign3A_207 = arith.cmpi slt, %scan3A_202, %sign3A_206 : i32
      %sign3A_208 = arith.extui %sign3A_207 : i1 to i32
      %sign3A_209 = arith.subi %sign3A_205, %sign3A_208 : i32
      %sign3A_210 = arith.constant 0 : i32
      %sign3A_211 = arith.cmpi sgt, %jit3A, %sign3A_210 : i32
      %sign3A_212 = arith.extui %sign3A_211 : i1 to i32
      %sign3A_213 = arith.constant 0 : i32
      %sign3A_214 = arith.cmpi slt, %jit3A, %sign3A_213 : i32
      %sign3A_215 = arith.extui %sign3A_214 : i1 to i32
      %sign3A_216 = arith.subi %sign3A_212, %sign3A_215 : i32
      %ne3A = arith.cmpi ne, %sign3A_209, %sign3A_216 : i32
      %rem3A = arith.remsi %scan3A_202, %jit3A : i32
      %ne3A_217 = arith.constant 0 : i32
      %ne3A_218 = arith.cmpi ne, %rem3A, %ne3A_217 : i32
      %and3A = arith.andi %ne3A, %ne3A_218 : i1
      %sub3A = arith.constant 1 : i32
      %sub3A_219 = arith.subi %div3A, %sub3A : i32
      %select_n3A = arith.select %and3A, %sub3A_219, %div3A : i32
      %jit3A_220 = arith.constant 2 : i32
      %eq3A_221 = arith.constant 0 : i32
      %eq3A_222 = arith.cmpi eq, %jit3A_220, %eq3A_221 : i32
      %jit3A_223 = arith.constant 1 : i32
      %select_n3A_224 = arith.select %eq3A_222, %jit3A_223, %jit3A_220 : i32
      %rem3A_225 = arith.remsi %scan3A_202, %select_n3A_224 : i32
      %ne3A_226 = arith.constant 0 : i32
      %ne3A_227 = arith.cmpi ne, %rem3A_225, %ne3A_226 : i32
      %lt3A_228 = arith.constant 0 : i32
      %lt3A_229 = arith.cmpi slt, %rem3A_225, %lt3A_228 : i32
      %lt3A_230 = arith.constant 0 : i32
      %lt3A_231 = arith.cmpi slt, %select_n3A_224, %lt3A_230 : i32
      %ne3A_232 = arith.xori %lt3A_229, %lt3A_231 : i1
      %and3A_233 = arith.andi %ne3A_232, %ne3A_227 : i1
      %add3A_234 = arith.addi %rem3A_225, %select_n3A_224 : i32
      %select_n3A_235 = arith.select %and3A_233, %add3A_234, %rem3A_225 : i32
      %mul3A_236 = arith.constant 64 : i32
      %mul3A_237 = arith.muli %select_n3A_235, %mul3A_236 : i32
      %add3A_238 = arith.constant 0 : i32
      %add3A_239 = arith.addi %mul3A_237, %add3A_238 : i32
      %get3A = arith.index_cast %select_n3A : i32 to index
      %get3A_240 = arith.index_cast %add3A_239 : i32 to index
      %get3A_241 = tpu.vector_load %arg8[%get3A, %get3A_240] {strides = array<i32>} : memref<100x128xf32, #tpu.memory_space<vmem>>, vector<1x16xf32>,
      %get3A_242 = vector.shape_cast %get3A_241 : vector<1x16xf32> to vector<16xf32>
      %max3A = vector.broadcast %scan3A_60 : f32 to vector<16xf32>
      %max3A_243 = arith.maximumf %get3A_242, %max3A : vector<16xf32>
      %min3A = vector.broadcast %scan3A_61 : f32 to vector<16xf32>
      %min3A_244 = arith.minimumf %max3A_243, %min3A : vector<16xf32>
      %swap3A = arith.index_cast %select_n3A : i32 to index
      %swap3A_245 = arith.index_cast %add3A_239 : i32 to index
      %swap3A_246 = tpu.vector_load %arg8[%swap3A, %swap3A_245] {strides = array<i32>} : memref<100x128xf32, #tpu.memory_space<vmem>>, vector<1x16xf32>,
      %swap3A_247 = vector.shape_cast %swap3A_246 : vector<1x16xf32> to vector<16xf32>
      %swap3A_248 = vector.shape_cast %min3A_244 : vector<16xf32> to vector<1x16xf32>
      tpu.vector_store %arg8[%swap3A, %swap3A_245], %swap3A_248 {strides = array<i32>} : memref<100x128xf32, #tpu.memory_space<vmem>>, vector<1x16xf32>,
      %add3A_249 = arith.constant 16 : i32
      %add3A_250 = arith.addi %mul3A_237, %add3A_249 : i32
      %get3A_251 = arith.index_cast %select_n3A : i32 to index
      %get3A_252 = arith.index_cast %add3A_250 : i32 to index
      %get3A_253 = tpu.vector_load %arg8[%get3A_251, %get3A_252] {strides = array<i32>} : memref<100x128xf32, #tpu.memory_space<vmem>>, vector<1x16xf32>,
      %get3A_254 = vector.shape_cast %get3A_253 : vector<1x16xf32> to vector<16xf32>
      %max3A_255 = vector.broadcast %scan3A_60 : f32 to vector<16xf32>
      %max3A_256 = arith.maximumf %get3A_254, %max3A_255 : vector<16xf32>
      %min3A_257 = vector.broadcast %scan3A_61 : f32 to vector<16xf32>
      %min3A_258 = arith.minimumf %max3A_256, %min3A_257 : vector<16xf32>
      %swap3A_259 = arith.index_cast %select_n3A : i32 to index
      %swap3A_260 = arith.index_cast %add3A_250 : i32 to index
      %swap3A_261 = tpu.vector_load %arg8[%swap3A_259, %swap3A_260] {strides = array<i32>} : memref<100x128xf32, #tpu.memory_space<vmem>>, vector<1x16xf32>,
      %swap3A_262 = vector.shape_cast %swap3A_261 : vector<1x16xf32> to vector<16xf32>
      %swap3A_263 = vector.shape_cast %min3A_258 : vector<16xf32> to vector<1x16xf32>
      tpu.vector_store %arg8[%swap3A_259, %swap3A_260], %swap3A_263 {strides = array<i32>} : memref<100x128xf32, #tpu.memory_space<vmem>>, vector<1x16xf32>,
      %add3A_264 = arith.constant 32 : i32
      %add3A_265 = arith.addi %mul3A_237, %add3A_264 : i32
      %get3A_266 = arith.index_cast %select_n3A : i32 to index
      %get3A_267 = arith.index_cast %add3A_265 : i32 to index
      %get3A_268 = tpu.vector_load %arg8[%get3A_266, %get3A_267] {strides = array<i32>} : memref<100x128xf32, #tpu.memory_space<vmem>>, vector<1x16xf32>,
      %get3A_269 = vector.shape_cast %get3A_268 : vector<1x16xf32> to vector<16xf32>
      %max3A_270 = vector.broadcast %scan3A_60 : f32 to vector<16xf32>
      %max3A_271 = arith.maximumf %get3A_269, %max3A_270 : vector<16xf32>
      %min3A_272 = vector.broadcast %scan3A_61 : f32 to vector<16xf32>
      %min3A_273 = arith.minimumf %max3A_271, %min3A_272 : vector<16xf32>
      %swap3A_274 = arith.index_cast %select_n3A : i32 to index
      %swap3A_275 = arith.index_cast %add3A_265 : i32 to index
      %swap3A_276 = tpu.vector_load %arg8[%swap3A_274, %swap3A_275] {strides = array<i32>} : memref<100x128xf32, #tpu.memory_space<vmem>>, vector<1x16xf32>,
      %swap3A_277 = vector.shape_cast %swap3A_276 : vector<1x16xf32> to vector<16xf32>
      %swap3A_278 = vector.shape_cast %min3A_273 : vector<16xf32> to vector<1x16xf32>
      tpu.vector_store %arg8[%swap3A_274, %swap3A_275], %swap3A_278 {strides = array<i32>} : memref<100x128xf32, #tpu.memory_space<vmem>>, vector<1x16xf32>,
      %add3A_279 = arith.constant 48 : i32
      %add3A_280 = arith.addi %mul3A_237, %add3A_279 : i32
      %get3A_281 = arith.index_cast %select_n3A : i32 to index
      %get3A_282 = arith.index_cast %add3A_280 : i32 to index
      %get3A_283 = tpu.vector_load %arg8[%get3A_281, %get3A_282] {strides = array<i32>} : memref<100x128xf32, #tpu.memory_space<vmem>>, vector<1x16xf32>,
      %get3A_284 = vector.shape_cast %get3A_283 : vector<1x16xf32> to vector<16xf32>
      %max3A_285 = vector.broadcast %scan3A_60 : f32 to vector<16xf32>
      %max3A_286 = arith.maximumf %get3A_284, %max3A_285 : vector<16xf32>
      %min3A_287 = vector.broadcast %scan3A_61 : f32 to vector<16xf32>
      %min3A_288 = arith.minimumf %max3A_286, %min3A_287 : vector<16xf32>
      %swap3A_289 = arith.index_cast %select_n3A : i32 to index
      %swap3A_290 = arith.index_cast %add3A_280 : i32 to index
      %swap3A_291 = tpu.vector_load %arg8[%swap3A_289, %swap3A_290] {strides = array<i32>} : memref<100x128xf32, #tpu.memory_space<vmem>>, vector<1x16xf32>,
      %swap3A_292 = vector.shape_cast %swap3A_291 : vector<1x16xf32> to vector<16xf32>
      %swap3A_293 = vector.shape_cast %min3A_288 : vector<16xf32> to vector<1x16xf32>
      tpu.vector_store %arg8[%swap3A_289, %swap3A_290], %swap3A_293 {strides = array<i32>} : memref<100x128xf32, #tpu.memory_space<vmem>>, vector<1x16xf32>,
      %scan3A_294 = arith.constant 0 : i32
      scf.yield %scan3A_294 : i32
    }
    %scan3A_68 = arith.constant 200 : i32
    %add3A_69 = arith.constant 0 : i32
    %add3A_70 = arith.addi %mul3A_2, %add3A_69 : i32
    %dma_start3A_71 = arith.constant 0 : i32
    %dma_start3A_72 = tpu.memref_slice %arg4[%dma_start3A_71, %add3A_70] : memref<100x16384xf32, #tpu.memory_space<hbm>> -> memref<100x128xf32, #tpu.memory_space<hbm>>
    %dma_start3A_73 = arith.constant 0 : i32
    %dma_start3A_74 = tpu.memref_slice %arg4[%dma_start3A_73, %add3A_70] : memref<100x16384xf32, #tpu.memory_space<hbm>> -> memref<100x128xf32, #tpu.memory_space<hbm>>
    tpu.enqueue_dma source(%arg8 : memref<100x128xf32, #tpu.memory_space<vmem>>) target(%dma_start3A_74 : memref<100x128xf32, #tpu.memory_space<hbm>>) target_semaphore(%arg13 : memref<!tpu.dma_semaphore, #tpu.memory_space<semaphore_mem>>)
    %add3A_75 = arith.constant 0 : i32
    %add3A_76 = arith.addi %mul3A_2, %add3A_75 : i32
    %dma_wait3A_77 = arith.constant 0 : i32
    %dma_wait3A_78 = tpu.memref_slice %arg4[%dma_wait3A_77, %add3A_76] : memref<100x16384xf32, #tpu.memory_space<hbm>> -> memref<100x128xf32, #tpu.memory_space<hbm>>
    %dma_wait3A_79 = arith.constant 0 : i32
    %dma_wait3A_80 = tpu.memref_slice %arg4[%dma_wait3A_79, %add3A_76] : memref<100x16384xf32, #tpu.memory_space<hbm>> -> memref<100x128xf32, #tpu.memory_space<hbm>>
    tpu.wait_dma2 semaphore(%arg13 : memref<!tpu.dma_semaphore, #tpu.memory_space<semaphore_mem>>) src(%arg8 : memref<100x128xf32, #tpu.memory_space<vmem>>) dst(%dma_wait3A_80 : memref<100x128xf32, #tpu.memory_space<hbm>>)
    %add3A_81 = arith.constant 256 : i32
    %add3A_82 = arith.addi %mul3A_2, %add3A_81 : i32
    %dma_wait3A_83 = arith.constant 0 : i32
    %dma_wait3A_84 = tpu.memref_slice %arg2[%dma_wait3A_83, %add3A_82] : memref<100x16384xi32, #tpu.memory_space<hbm>> -> memref<100x128xi32, #tpu.memory_space<hbm>>
    %dma_wait3A_85 = arith.constant 0 : i32
    %dma_wait3A_86 = tpu.memref_slice %arg2[%dma_wait3A_85, %add3A_82] : memref<100x16384xi32, #tpu.memory_space<hbm>> -> memref<100x128xi32, #tpu.memory_space<hbm>>
    tpu.wait_dma2 semaphore(%arg12 : memref<!tpu.dma_semaphore, #tpu.memory_space<semaphore_mem>>) src(%dma_wait3A_86 : memref<100x128xi32, #tpu.memory_space<hbm>>) dst(%arg6 : memref<100x128xi32, #tpu.memory_space<vmem>>)
    %scan3A_87 = arith.constant 0 : i32
    %scan3A_88 = arith.constant 0 : i32
    %scan3A_89 = arith.constant 0 : i32
    %scan3A_90 = arith.constant 100 : i32
    %scan3A_91 = arith.addi %scan3A_89, %scan3A_90 : i32
    %scan3A_92 = arith.constant 1 : i32
    %scan3A_93 = scf.for %scan3A_202 = %scan3A_89 to %scan3A_91 step %scan3A_92 iter_args(%scan3A_203 = %scan3A_88) -> (i32)  : i32 {
      %dma_start3A_204 = arith.constant 0 : i32
      %dma_start3A_205 = tpu.memref_slice %arg8[%scan3A_202, %dma_start3A_204] : memref<100x128xf32, #tpu.memory_space<vmem>> -> memref<1x128xf32, #tpu.memory_space<vmem>>
      %dma_start3A_206 = tpu.memref_squeeze %dma_start3A_205 : memref<1x128xf32, #tpu.memory_space<vmem>> -> memref<128xf32, #tpu.memory_space<vmem>>
      %dma_start3A_207 = arith.constant 0 : i32
      %dma_start3A_208 = tpu.memref_slice %arg6[%scan3A_202, %dma_start3A_207] : memref<100x128xi32, #tpu.memory_space<vmem>> -> memref<1x128xi32, #tpu.memory_space<vmem>>
      %dma_start3A_209 = tpu.memref_squeeze %dma_start3A_208 : memref<1x128xi32, #tpu.memory_space<vmem>> -> memref<128xi32, #tpu.memory_space<vmem>>
      %dma_start3A_210 = arith.constant 0 : i32
      %dma_start3A_211 = tpu.memref_slice %arg5[%scan3A_87, %dma_start3A_210] : memref<1x1000000xf32, #tpu.memory_space<vmem_shared>> -> memref<1x1000000xf32, #tpu.memory_space<vmem_shared>>
      %dma_start3A_212 = tpu.memref_squeeze %dma_start3A_211 : memref<1x1000000xf32, #tpu.memory_space<vmem_shared>> -> memref<1000000xf32, #tpu.memory_space<vmem_shared>>
      %dma_start3A_213 = arith.constant 0 : i32
      %dma_start3A_214 = tpu.memref_slice %dma_start3A_212[%dma_start3A_213] : memref<1000000xf32, #tpu.memory_space<vmem_shared>> -> memref<1000000xf32, #tpu.memory_space<vmem_shared>>
      tpu.enqueue_indirect_dma source(%dma_start3A_214 : memref<1000000xf32, #tpu.memory_space<vmem_shared>>) target(%dma_start3A_206 : memref<128xf32, #tpu.memory_space<vmem>>) offsets(%dma_start3A_209 : memref<128xi32, #tpu.memory_space<vmem>>) semaphore(%arg10 : memref<!tpu.dma_semaphore, #tpu.memory_space<semaphore_mem>>)
      %scan3A_215 = arith.constant 0 : i32
      scf.yield %scan3A_215 : i32
    }
    %scan3A_94 = arith.constant 100 : i32
    %scan3A_95 = arith.constant 0 : i32
    %scan3A_96 = arith.constant 0 : i32
    %scan3A_97 = arith.constant 0 : i32
    %scan3A_98 = arith.constant 25 : i32
    %scan3A_99 = arith.addi %scan3A_97, %scan3A_98 : i32
    %scan3A_100 = arith.constant 1 : i32
    %scan3A_101 = scf.for %scan3A_202 = %scan3A_97 to %scan3A_99 step %scan3A_100 iter_args(%scan3A_203 = %scan3A_96) -> (i32)  : i32 {
      %mul3A_204 = arith.constant 4 : i32
      %mul3A_205 = arith.muli %scan3A_202, %mul3A_204 : i32
      %add3A_206 = arith.constant 0 : i32
      %add3A_207 = arith.addi %mul3A_205, %add3A_206 : i32
      %mul3A_208 = arith.constant 4 : i32
      %mul3A_209 = arith.muli %scan3A_202, %mul3A_208 : i32
      %add3A_210 = arith.constant 0 : i32
      %add3A_211 = arith.addi %mul3A_209, %add3A_210 : i32
      %dma_wait3A_212 = arith.constant 0 : i32
      %dma_wait3A_213 = tpu.memref_slice %arg9[%add3A_211, %dma_wait3A_212] : memref<100x128xf32, #tpu.memory_space<vmem>> -> memref<1x128xf32, #tpu.memory_space<vmem>>
      %dma_wait3A_214 = tpu.memref_squeeze %dma_wait3A_213 : memref<1x128xf32, #tpu.memory_space<vmem>> -> memref<128xf32, #tpu.memory_space<vmem>>
      %dma_wait3A_215 = arith.constant 0 : i32
      %dma_wait3A_216 = tpu.memref_slice %arg7[%add3A_207, %dma_wait3A_215] : memref<100x128xi32, #tpu.memory_space<vmem>> -> memref<1x128xi32, #tpu.memory_space<vmem>>
      %dma_wait3A_217 = tpu.memref_squeeze %dma_wait3A_216 : memref<1x128xi32, #tpu.memory_space<vmem>> -> memref<128xi32, #tpu.memory_space<vmem>>
      %dma_wait3A_218 = arith.constant 0 : i32
      %dma_wait3A_219 = tpu.memref_slice %arg5[%scan3A_95, %dma_wait3A_218] : memref<1x1000000xf32, #tpu.memory_space<vmem_shared>> -> memref<1x1000000xf32, #tpu.memory_space<vmem_shared>>
      %dma_wait3A_220 = tpu.memref_squeeze %dma_wait3A_219 : memref<1x1000000xf32, #tpu.memory_space<vmem_shared>> -> memref<1000000xf32, #tpu.memory_space<vmem_shared>>
      %dma_wait3A_221 = arith.constant 0 : i32
      %dma_wait3A_222 = tpu.memref_slice %dma_wait3A_220[%dma_wait3A_221] : memref<1000000xf32, #tpu.memory_space<vmem_shared>> -> memref<1000000xf32, #tpu.memory_space<vmem_shared>>
      tpu.wait_indirect_dma semaphore(%arg11 : memref<!tpu.dma_semaphore, #tpu.memory_space<semaphore_mem>>) src(%dma_wait3A_222 : memref<1000000xf32, #tpu.memory_space<vmem_shared>>) dst(%dma_wait3A_214 : memref<128xf32, #tpu.memory_space<vmem>>)
      %mul3A_223 = arith.constant 4 : i32
      %mul3A_224 = arith.muli %scan3A_202, %mul3A_223 : i32
      %add3A_225 = arith.constant 1 : i32
      %add3A_226 = arith.addi %mul3A_224, %add3A_225 : i32
      %mul3A_227 = arith.constant 4 : i32
      %mul3A_228 = arith.muli %scan3A_202, %mul3A_227 : i32
      %add3A_229 = arith.constant 1 : i32
      %add3A_230 = arith.addi %mul3A_228, %add3A_229 : i32
      %dma_wait3A_231 = arith.constant 0 : i32
      %dma_wait3A_232 = tpu.memref_slice %arg9[%add3A_230, %dma_wait3A_231] : memref<100x128xf32, #tpu.memory_space<vmem>> -> memref<1x128xf32, #tpu.memory_space<vmem>>
      %dma_wait3A_233 = tpu.memref_squeeze %dma_wait3A_232 : memref<1x128xf32, #tpu.memory_space<vmem>> -> memref<128xf32, #tpu.memory_space<vmem>>
      %dma_wait3A_234 = arith.constant 0 : i32
      %dma_wait3A_235 = tpu.memref_slice %arg7[%add3A_226, %dma_wait3A_234] : memref<100x128xi32, #tpu.memory_space<vmem>> -> memref<1x128xi32, #tpu.memory_space<vmem>>
      %dma_wait3A_236 = tpu.memref_squeeze %dma_wait3A_235 : memref<1x128xi32, #tpu.memory_space<vmem>> -> memref<128xi32, #tpu.memory_space<vmem>>
      %dma_wait3A_237 = arith.constant 0 : i32
      %dma_wait3A_238 = tpu.memref_slice %arg5[%scan3A_95, %dma_wait3A_237] : memref<1x1000000xf32, #tpu.memory_space<vmem_shared>> -> memref<1x1000000xf32, #tpu.memory_space<vmem_shared>>
      %dma_wait3A_239 = tpu.memref_squeeze %dma_wait3A_238 : memref<1x1000000xf32, #tpu.memory_space<vmem_shared>> -> memref<1000000xf32, #tpu.memory_space<vmem_shared>>
      %dma_wait3A_240 = arith.constant 0 : i32
      %dma_wait3A_241 = tpu.memref_slice %dma_wait3A_239[%dma_wait3A_240] : memref<1000000xf32, #tpu.memory_space<vmem_shared>> -> memref<1000000xf32, #tpu.memory_space<vmem_shared>>
      tpu.wait_indirect_dma semaphore(%arg11 : memref<!tpu.dma_semaphore, #tpu.memory_space<semaphore_mem>>) src(%dma_wait3A_241 : memref<1000000xf32, #tpu.memory_space<vmem_shared>>) dst(%dma_wait3A_233 : memref<128xf32, #tpu.memory_space<vmem>>)
      %mul3A_242 = arith.constant 4 : i32
      %mul3A_243 = arith.muli %scan3A_202, %mul3A_242 : i32
      %add3A_244 = arith.constant 2 : i32
      %add3A_245 = arith.addi %mul3A_243, %add3A_244 : i32
      %mul3A_246 = arith.constant 4 : i32
      %mul3A_247 = arith.muli %scan3A_202, %mul3A_246 : i32
      %add3A_248 = arith.constant 2 : i32
      %add3A_249 = arith.addi %mul3A_247, %add3A_248 : i32
      %dma_wait3A_250 = arith.constant 0 : i32
      %dma_wait3A_251 = tpu.memref_slice %arg9[%add3A_249, %dma_wait3A_250] : memref<100x128xf32, #tpu.memory_space<vmem>> -> memref<1x128xf32, #tpu.memory_space<vmem>>
      %dma_wait3A_252 = tpu.memref_squeeze %dma_wait3A_251 : memref<1x128xf32, #tpu.memory_space<vmem>> -> memref<128xf32, #tpu.memory_space<vmem>>
      %dma_wait3A_253 = arith.constant 0 : i32
      %dma_wait3A_254 = tpu.memref_slice %arg7[%add3A_245, %dma_wait3A_253] : memref<100x128xi32, #tpu.memory_space<vmem>> -> memref<1x128xi32, #tpu.memory_space<vmem>>
      %dma_wait3A_255 = tpu.memref_squeeze %dma_wait3A_254 : memref<1x128xi32, #tpu.memory_space<vmem>> -> memref<128xi32, #tpu.memory_space<vmem>>
      %dma_wait3A_256 = arith.constant 0 : i32
      %dma_wait3A_257 = tpu.memref_slice %arg5[%scan3A_95, %dma_wait3A_256] : memref<1x1000000xf32, #tpu.memory_space<vmem_shared>> -> memref<1x1000000xf32, #tpu.memory_space<vmem_shared>>
      %dma_wait3A_258 = tpu.memref_squeeze %dma_wait3A_257 : memref<1x1000000xf32, #tpu.memory_space<vmem_shared>> -> memref<1000000xf32, #tpu.memory_space<vmem_shared>>
      %dma_wait3A_259 = arith.constant 0 : i32
      %dma_wait3A_260 = tpu.memref_slice %dma_wait3A_258[%dma_wait3A_259] : memref<1000000xf32, #tpu.memory_space<vmem_shared>> -> memref<1000000xf32, #tpu.memory_space<vmem_shared>>
      tpu.wait_indirect_dma semaphore(%arg11 : memref<!tpu.dma_semaphore, #tpu.memory_space<semaphore_mem>>) src(%dma_wait3A_260 : memref<1000000xf32, #tpu.memory_space<vmem_shared>>) dst(%dma_wait3A_252 : memref<128xf32, #tpu.memory_space<vmem>>)
      %mul3A_261 = arith.constant 4 : i32
      %mul3A_262 = arith.muli %scan3A_202, %mul3A_261 : i32
      %add3A_263 = arith.constant 3 : i32
      %add3A_264 = arith.addi %mul3A_262, %add3A_263 : i32
      %mul3A_265 = arith.constant 4 : i32
      %mul3A_266 = arith.muli %scan3A_202, %mul3A_265 : i32
      %add3A_267 = arith.constant 3 : i32
      %add3A_268 = arith.addi %mul3A_266, %add3A_267 : i32
      %dma_wait3A_269 = arith.constant 0 : i32
      %dma_wait3A_270 = tpu.memref_slice %arg9[%add3A_268, %dma_wait3A_269] : memref<100x128xf32, #tpu.memory_space<vmem>> -> memref<1x128xf32, #tpu.memory_space<vmem>>
      %dma_wait3A_271 = tpu.memref_squeeze %dma_wait3A_270 : memref<1x128xf32, #tpu.memory_space<vmem>> -> memref<128xf32, #tpu.memory_space<vmem>>
      %dma_wait3A_272 = arith.constant 0 : i32
      %dma_wait3A_273 = tpu.memref_slice %arg7[%add3A_264, %dma_wait3A_272] : memref<100x128xi32, #tpu.memory_space<vmem>> -> memref<1x128xi32, #tpu.memory_space<vmem>>
      %dma_wait3A_274 = tpu.memref_squeeze %dma_wait3A_273 : memref<1x128xi32, #tpu.memory_space<vmem>> -> memref<128xi32, #tpu.memory_space<vmem>>
      %dma_wait3A_275 = arith.constant 0 : i32
      %dma_wait3A_276 = tpu.memref_slice %arg5[%scan3A_95, %dma_wait3A_275] : memref<1x1000000xf32, #tpu.memory_space<vmem_shared>> -> memref<1x1000000xf32, #tpu.memory_space<vmem_shared>>
      %dma_wait3A_277 = tpu.memref_squeeze %dma_wait3A_276 : memref<1x1000000xf32, #tpu.memory_space<vmem_shared>> -> memref<1000000xf32, #tpu.memory_space<vmem_shared>>
      %dma_wait3A_278 = arith.constant 0 : i32
      %dma_wait3A_279 = tpu.memref_slice %dma_wait3A_277[%dma_wait3A_278] : memref<1000000xf32, #tpu.memory_space<vmem_shared>> -> memref<1000000xf32, #tpu.memory_space<vmem_shared>>
      tpu.wait_indirect_dma semaphore(%arg11 : memref<!tpu.dma_semaphore, #tpu.memory_space<semaphore_mem>>) src(%dma_wait3A_279 : memref<1000000xf32, #tpu.memory_space<vmem_shared>>) dst(%dma_wait3A_271 : memref<128xf32, #tpu.memory_space<vmem>>)
      %scan3A_280 = arith.constant 0 : i32
      scf.yield %scan3A_280 : i32
    }
    %scan3A_102 = arith.constant 25 : i32
    %add3A_103 = arith.constant 384 : i32
    %add3A_104 = arith.addi %mul3A_2, %add3A_103 : i32
    %dma_start3A_105 = arith.constant 0 : i32
    %dma_start3A_106 = tpu.memref_slice %arg2[%dma_start3A_105, %add3A_104] : memref<100x16384xi32, #tpu.memory_space<hbm>> -> memref<100x128xi32, #tpu.memory_space<hbm>>
    %dma_start3A_107 = arith.constant 0 : i32
    %dma_start3A_108 = tpu.memref_slice %arg2[%dma_start3A_107, %add3A_104] : memref<100x16384xi32, #tpu.memory_space<hbm>> -> memref<100x128xi32, #tpu.memory_space<hbm>>
    tpu.enqueue_dma source(%dma_start3A_108 : memref<100x128xi32, #tpu.memory_space<hbm>>) target(%arg7 : memref<100x128xi32, #tpu.memory_space<vmem>>) target_semaphore(%arg12 : memref<!tpu.dma_semaphore, #tpu.memory_space<semaphore_mem>>)
    %scan3A_109 = arith.constant 9.99999996E-13 : f32
    %scan3A_110 = arith.constant 1.000000e+00 : f32
    %scan3A_111 = arith.constant 0 : i32
    %scan3A_112 = arith.constant 0 : i32
    %scan3A_113 = arith.constant 200 : i32
    %scan3A_114 = arith.addi %scan3A_112, %scan3A_113 : i32
    %scan3A_115 = arith.constant 1 : i32
    %scan3A_116 = scf.for %scan3A_202 = %scan3A_112 to %scan3A_114 step %scan3A_115 iter_args(%scan3A_203 = %scan3A_111) -> (i32)  : i32 {
      %jit3A = arith.constant 2 : i32
      %div3A = arith.divsi %scan3A_202, %jit3A : i32
      %sign3A = arith.constant 0 : i32
      %sign3A_204 = arith.cmpi sgt, %scan3A_202, %sign3A : i32
      %sign3A_205 = arith.extui %sign3A_204 : i1 to i32
      %sign3A_206 = arith.constant 0 : i32
      %sign3A_207 = arith.cmpi slt, %scan3A_202, %sign3A_206 : i32
      %sign3A_208 = arith.extui %sign3A_207 : i1 to i32
      %sign3A_209 = arith.subi %sign3A_205, %sign3A_208 : i32
      %sign3A_210 = arith.constant 0 : i32
      %sign3A_211 = arith.cmpi sgt, %jit3A, %sign3A_210 : i32
      %sign3A_212 = arith.extui %sign3A_211 : i1 to i32
      %sign3A_213 = arith.constant 0 : i32
      %sign3A_214 = arith.cmpi slt, %jit3A, %sign3A_213 : i32
      %sign3A_215 = arith.extui %sign3A_214 : i1 to i32
      %sign3A_216 = arith.subi %sign3A_212, %sign3A_215 : i32
      %ne3A = arith.cmpi ne, %sign3A_209, %sign3A_216 : i32
      %rem3A = arith.remsi %scan3A_202, %jit3A : i32
      %ne3A_217 = arith.constant 0 : i32
      %ne3A_218 = arith.cmpi ne, %rem3A, %ne3A_217 : i32
      %and3A = arith.andi %ne3A, %ne3A_218 : i1
      %sub3A = arith.constant 1 : i32
      %sub3A_219 = arith.subi %div3A, %sub3A : i32
      %select_n3A = arith.select %and3A, %sub3A_219, %div3A : i32
      %jit3A_220 = arith.constant 2 : i32
      %eq3A_221 = arith.constant 0 : i32
      %eq3A_222 = arith.cmpi eq, %jit3A_220, %eq3A_221 : i32
      %jit3A_223 = arith.constant 1 : i32
      %select_n3A_224 = arith.select %eq3A_222, %jit3A_223, %jit3A_220 : i32
      %rem3A_225 = arith.remsi %scan3A_202, %select_n3A_224 : i32
      %ne3A_226 = arith.constant 0 : i32
      %ne3A_227 = arith.cmpi ne, %rem3A_225, %ne3A_226 : i32
      %lt3A_228 = arith.constant 0 : i32
      %lt3A_229 = arith.cmpi slt, %rem3A_225, %lt3A_228 : i32
      %lt3A_230 = arith.constant 0 : i32
      %lt3A_231 = arith.cmpi slt, %select_n3A_224, %lt3A_230 : i32
      %ne3A_232 = arith.xori %lt3A_229, %lt3A_231 : i1
      %and3A_233 = arith.andi %ne3A_232, %ne3A_227 : i1
      %add3A_234 = arith.addi %rem3A_225, %select_n3A_224 : i32
      %select_n3A_235 = arith.select %and3A_233, %add3A_234, %rem3A_225 : i32
      %mul3A_236 = arith.constant 64 : i32
      %mul3A_237 = arith.muli %select_n3A_235, %mul3A_236 : i32
      %add3A_238 = arith.constant 0 : i32
      %add3A_239 = arith.addi %mul3A_237, %add3A_238 : i32
      %get3A = arith.index_cast %select_n3A : i32 to index
      %get3A_240 = arith.index_cast %add3A_239 : i32 to index
      %get3A_241 = tpu.vector_load %arg9[%get3A, %get3A_240] {strides = array<i32>} : memref<100x128xf32, #tpu.memory_space<vmem>>, vector<1x16xf32>,
      %get3A_242 = vector.shape_cast %get3A_241 : vector<1x16xf32> to vector<16xf32>
      %max3A = vector.broadcast %scan3A_109 : f32 to vector<16xf32>
      %max3A_243 = arith.maximumf %get3A_242, %max3A : vector<16xf32>
      %min3A = vector.broadcast %scan3A_110 : f32 to vector<16xf32>
      %min3A_244 = arith.minimumf %max3A_243, %min3A : vector<16xf32>
      %swap3A = arith.index_cast %select_n3A : i32 to index
      %swap3A_245 = arith.index_cast %add3A_239 : i32 to index
      %swap3A_246 = tpu.vector_load %arg9[%swap3A, %swap3A_245] {strides = array<i32>} : memref<100x128xf32, #tpu.memory_space<vmem>>, vector<1x16xf32>,
      %swap3A_247 = vector.shape_cast %swap3A_246 : vector<1x16xf32> to vector<16xf32>
      %swap3A_248 = vector.shape_cast %min3A_244 : vector<16xf32> to vector<1x16xf32>
      tpu.vector_store %arg9[%swap3A, %swap3A_245], %swap3A_248 {strides = array<i32>} : memref<100x128xf32, #tpu.memory_space<vmem>>, vector<1x16xf32>,
      %add3A_249 = arith.constant 16 : i32
      %add3A_250 = arith.addi %mul3A_237, %add3A_249 : i32
      %get3A_251 = arith.index_cast %select_n3A : i32 to index
      %get3A_252 = arith.index_cast %add3A_250 : i32 to index
      %get3A_253 = tpu.vector_load %arg9[%get3A_251, %get3A_252] {strides = array<i32>} : memref<100x128xf32, #tpu.memory_space<vmem>>, vector<1x16xf32>,
      %get3A_254 = vector.shape_cast %get3A_253 : vector<1x16xf32> to vector<16xf32>
      %max3A_255 = vector.broadcast %scan3A_109 : f32 to vector<16xf32>
      %max3A_256 = arith.maximumf %get3A_254, %max3A_255 : vector<16xf32>
      %min3A_257 = vector.broadcast %scan3A_110 : f32 to vector<16xf32>
      %min3A_258 = arith.minimumf %max3A_256, %min3A_257 : vector<16xf32>
      %swap3A_259 = arith.index_cast %select_n3A : i32 to index
      %swap3A_260 = arith.index_cast %add3A_250 : i32 to index
      %swap3A_261 = tpu.vector_load %arg9[%swap3A_259, %swap3A_260] {strides = array<i32>} : memref<100x128xf32, #tpu.memory_space<vmem>>, vector<1x16xf32>,
      %swap3A_262 = vector.shape_cast %swap3A_261 : vector<1x16xf32> to vector<16xf32>
      %swap3A_263 = vector.shape_cast %min3A_258 : vector<16xf32> to vector<1x16xf32>
      tpu.vector_store %arg9[%swap3A_259, %swap3A_260], %swap3A_263 {strides = array<i32>} : memref<100x128xf32, #tpu.memory_space<vmem>>, vector<1x16xf32>,
      %add3A_264 = arith.constant 32 : i32
      %add3A_265 = arith.addi %mul3A_237, %add3A_264 : i32
      %get3A_266 = arith.index_cast %select_n3A : i32 to index
      %get3A_267 = arith.index_cast %add3A_265 : i32 to index
      %get3A_268 = tpu.vector_load %arg9[%get3A_266, %get3A_267] {strides = array<i32>} : memref<100x128xf32, #tpu.memory_space<vmem>>, vector<1x16xf32>,
      %get3A_269 = vector.shape_cast %get3A_268 : vector<1x16xf32> to vector<16xf32>
      %max3A_270 = vector.broadcast %scan3A_109 : f32 to vector<16xf32>
      %max3A_271 = arith.maximumf %get3A_269, %max3A_270 : vector<16xf32>
      %min3A_272 = vector.broadcast %scan3A_110 : f32 to vector<16xf32>
      %min3A_273 = arith.minimumf %max3A_271, %min3A_272 : vector<16xf32>
      %swap3A_274 = arith.index_cast %select_n3A : i32 to index
      %swap3A_275 = arith.index_cast %add3A_265 : i32 to index
      %swap3A_276 = tpu.vector_load %arg9[%swap3A_274, %swap3A_275] {strides = array<i32>} : memref<100x128xf32, #tpu.memory_space<vmem>>, vector<1x16xf32>,
      %swap3A_277 = vector.shape_cast %swap3A_276 : vector<1x16xf32> to vector<16xf32>
      %swap3A_278 = vector.shape_cast %min3A_273 : vector<16xf32> to vector<1x16xf32>
      tpu.vector_store %arg9[%swap3A_274, %swap3A_275], %swap3A_278 {strides = array<i32>} : memref<100x128xf32, #tpu.memory_space<vmem>>, vector<1x16xf32>,
      %add3A_279 = arith.constant 48 : i32
      %add3A_280 = arith.addi %mul3A_237, %add3A_279 : i32
      %get3A_281 = arith.index_cast %select_n3A : i32 to index
      %get3A_282 = arith.index_cast %add3A_280 : i32 to index
      %get3A_283 = tpu.vector_load %arg9[%get3A_281, %get3A_282] {strides = array<i32>} : memref<100x128xf32, #tpu.memory_space<vmem>>, vector<1x16xf32>,
      %get3A_284 = vector.shape_cast %get3A_283 : vector<1x16xf32> to vector<16xf32>
      %max3A_285 = vector.broadcast %scan3A_109 : f32 to vector<16xf32>
      %max3A_286 = arith.maximumf %get3A_284, %max3A_285 : vector<16xf32>
      %min3A_287 = vector.broadcast %scan3A_110 : f32 to vector<16xf32>
      %min3A_288 = arith.minimumf %max3A_286, %min3A_287 : vector<16xf32>
      %swap3A_289 = arith.index_cast %select_n3A : i32 to index
      %swap3A_290 = arith.index_cast %add3A_280 : i32 to index
      %swap3A_291 = tpu.vector_load %arg9[%swap3A_289, %swap3A_290] {strides = array<i32>} : memref<100x128xf32, #tpu.memory_space<vmem>>, vector<1x16xf32>,
      %swap3A_292 = vector.shape_cast %swap3A_291 : vector<1x16xf32> to vector<16xf32>
      %swap3A_293 = vector.shape_cast %min3A_288 : vector<16xf32> to vector<1x16xf32>
      tpu.vector_store %arg9[%swap3A_289, %swap3A_290], %swap3A_293 {strides = array<i32>} : memref<100x128xf32, #tpu.memory_space<vmem>>, vector<1x16xf32>,
      %scan3A_294 = arith.constant 0 : i32
      scf.yield %scan3A_294 : i32
    }
    %scan3A_117 = arith.constant 200 : i32
    %add3A_118 = arith.constant 128 : i32
    %add3A_119 = arith.addi %mul3A_2, %add3A_118 : i32
    %dma_start3A_120 = arith.constant 0 : i32
    %dma_start3A_121 = tpu.memref_slice %arg4[%dma_start3A_120, %add3A_119] : memref<100x16384xf32, #tpu.memory_space<hbm>> -> memref<100x128xf32, #tpu.memory_space<hbm>>
    %dma_start3A_122 = arith.constant 0 : i32
    %dma_start3A_123 = tpu.memref_slice %arg4[%dma_start3A_122, %add3A_119] : memref<100x16384xf32, #tpu.memory_space<hbm>> -> memref<100x128xf32, #tpu.memory_space<hbm>>
    tpu.enqueue_dma source(%arg9 : memref<100x128xf32, #tpu.memory_space<vmem>>) target(%dma_start3A_123 : memref<100x128xf32, #tpu.memory_space<hbm>>) target_semaphore(%arg14 : memref<!tpu.dma_semaphore, #tpu.memory_space<semaphore_mem>>)
    %add3A_124 = arith.constant 128 : i32
    %add3A_125 = arith.addi %mul3A_2, %add3A_124 : i32
    %dma_wait3A_126 = arith.constant 0 : i32
    %dma_wait3A_127 = tpu.memref_slice %arg4[%dma_wait3A_126, %add3A_125] : memref<100x16384xf32, #tpu.memory_space<hbm>> -> memref<100x128xf32, #tpu.memory_space<hbm>>
    %dma_wait3A_128 = arith.constant 0 : i32
    %dma_wait3A_129 = tpu.memref_slice %arg4[%dma_wait3A_128, %add3A_125] : memref<100x16384xf32, #tpu.memory_space<hbm>> -> memref<100x128xf32, #tpu.memory_space<hbm>>
    tpu.wait_dma2 semaphore(%arg14 : memref<!tpu.dma_semaphore, #tpu.memory_space<semaphore_mem>>) src(%arg9 : memref<100x128xf32, #tpu.memory_space<vmem>>) dst(%dma_wait3A_129 : memref<100x128xf32, #tpu.memory_space<hbm>>)
    %add3A_130 = arith.constant 384 : i32
    %add3A_131 = arith.addi %mul3A_2, %add3A_130 : i32
    %dma_wait3A_132 = arith.constant 0 : i32
    %dma_wait3A_133 = tpu.memref_slice %arg2[%dma_wait3A_132, %add3A_131] : memref<100x16384xi32, #tpu.memory_space<hbm>> -> memref<100x128xi32, #tpu.memory_space<hbm>>
    %dma_wait3A_134 = arith.constant 0 : i32
    %dma_wait3A_135 = tpu.memref_slice %arg2[%dma_wait3A_134, %add3A_131] : memref<100x16384xi32, #tpu.memory_space<hbm>> -> memref<100x128xi32, #tpu.memory_space<hbm>>
    tpu.wait_dma2 semaphore(%arg12 : memref<!tpu.dma_semaphore, #tpu.memory_space<semaphore_mem>>) src(%dma_wait3A_135 : memref<100x128xi32, #tpu.memory_space<hbm>>) dst(%arg7 : memref<100x128xi32, #tpu.memory_space<vmem>>)
    %scan3A_136 = arith.constant 0 : i32
    %scan3A_137 = arith.constant 0 : i32
    %scan3A_138 = arith.constant 0 : i32
    %scan3A_139 = arith.constant 100 : i32
    %scan3A_140 = arith.addi %scan3A_138, %scan3A_139 : i32
    %scan3A_141 = arith.constant 1 : i32
    %scan3A_142 = scf.for %scan3A_202 = %scan3A_138 to %scan3A_140 step %scan3A_141 iter_args(%scan3A_203 = %scan3A_137) -> (i32)  : i32 {
      %dma_start3A_204 = arith.constant 0 : i32
      %dma_start3A_205 = tpu.memref_slice %arg9[%scan3A_202, %dma_start3A_204] : memref<100x128xf32, #tpu.memory_space<vmem>> -> memref<1x128xf32, #tpu.memory_space<vmem>>
      %dma_start3A_206 = tpu.memref_squeeze %dma_start3A_205 : memref<1x128xf32, #tpu.memory_space<vmem>> -> memref<128xf32, #tpu.memory_space<vmem>>
      %dma_start3A_207 = arith.constant 0 : i32
      %dma_start3A_208 = tpu.memref_slice %arg7[%scan3A_202, %dma_start3A_207] : memref<100x128xi32, #tpu.memory_space<vmem>> -> memref<1x128xi32, #tpu.memory_space<vmem>>
      %dma_start3A_209 = tpu.memref_squeeze %dma_start3A_208 : memref<1x128xi32, #tpu.memory_space<vmem>> -> memref<128xi32, #tpu.memory_space<vmem>>
      %dma_start3A_210 = arith.constant 0 : i32
      %dma_start3A_211 = tpu.memref_slice %arg5[%scan3A_136, %dma_start3A_210] : memref<1x1000000xf32, #tpu.memory_space<vmem_shared>> -> memref<1x1000000xf32, #tpu.memory_space<vmem_shared>>
      %dma_start3A_212 = tpu.memref_squeeze %dma_start3A_211 : memref<1x1000000xf32, #tpu.memory_space<vmem_shared>> -> memref<1000000xf32, #tpu.memory_space<vmem_shared>>
      %dma_start3A_213 = arith.constant 0 : i32
      %dma_start3A_214 = tpu.memref_slice %dma_start3A_212[%dma_start3A_213] : memref<1000000xf32, #tpu.memory_space<vmem_shared>> -> memref<1000000xf32, #tpu.memory_space<vmem_shared>>
      tpu.enqueue_indirect_dma source(%dma_start3A_214 : memref<1000000xf32, #tpu.memory_space<vmem_shared>>) target(%dma_start3A_206 : memref<128xf32, #tpu.memory_space<vmem>>) offsets(%dma_start3A_209 : memref<128xi32, #tpu.memory_space<vmem>>) semaphore(%arg11 : memref<!tpu.dma_semaphore, #tpu.memory_space<semaphore_mem>>)
      %scan3A_215 = arith.constant 0 : i32
      scf.yield %scan3A_215 : i32
    }
    %scan3A_143 = arith.constant 100 : i32
    %scan3A_144 = arith.constant 0 : i32
    %scan3A_145 = arith.constant 0 : i32
    %scan3A_146 = arith.constant 0 : i32
    %scan3A_147 = arith.constant 25 : i32
    %scan3A_148 = arith.addi %scan3A_146, %scan3A_147 : i32
    %scan3A_149 = arith.constant 1 : i32
    %scan3A_150 = scf.for %scan3A_202 = %scan3A_146 to %scan3A_148 step %scan3A_149 iter_args(%scan3A_203 = %scan3A_145) -> (i32)  : i32 {
      %mul3A_204 = arith.constant 4 : i32
      %mul3A_205 = arith.muli %scan3A_202, %mul3A_204 : i32
      %add3A_206 = arith.constant 0 : i32
      %add3A_207 = arith.addi %mul3A_205, %add3A_206 : i32
      %mul3A_208 = arith.constant 4 : i32
      %mul3A_209 = arith.muli %scan3A_202, %mul3A_208 : i32
      %add3A_210 = arith.constant 0 : i32
      %add3A_211 = arith.addi %mul3A_209, %add3A_210 : i32
      %dma_wait3A_212 = arith.constant 0 : i32
      %dma_wait3A_213 = tpu.memref_slice %arg8[%add3A_211, %dma_wait3A_212] : memref<100x128xf32, #tpu.memory_space<vmem>> -> memref<1x128xf32, #tpu.memory_space<vmem>>
      %dma_wait3A_214 = tpu.memref_squeeze %dma_wait3A_213 : memref<1x128xf32, #tpu.memory_space<vmem>> -> memref<128xf32, #tpu.memory_space<vmem>>
      %dma_wait3A_215 = arith.constant 0 : i32
      %dma_wait3A_216 = tpu.memref_slice %arg6[%add3A_207, %dma_wait3A_215] : memref<100x128xi32, #tpu.memory_space<vmem>> -> memref<1x128xi32, #tpu.memory_space<vmem>>
      %dma_wait3A_217 = tpu.memref_squeeze %dma_wait3A_216 : memref<1x128xi32, #tpu.memory_space<vmem>> -> memref<128xi32, #tpu.memory_space<vmem>>
      %dma_wait3A_218 = arith.constant 0 : i32
      %dma_wait3A_219 = tpu.memref_slice %arg5[%scan3A_144, %dma_wait3A_218] : memref<1x1000000xf32, #tpu.memory_space<vmem_shared>> -> memref<1x1000000xf32, #tpu.memory_space<vmem_shared>>
      %dma_wait3A_220 = tpu.memref_squeeze %dma_wait3A_219 : memref<1x1000000xf32, #tpu.memory_space<vmem_shared>> -> memref<1000000xf32, #tpu.memory_space<vmem_shared>>
      %dma_wait3A_221 = arith.constant 0 : i32
      %dma_wait3A_222 = tpu.memref_slice %dma_wait3A_220[%dma_wait3A_221] : memref<1000000xf32, #tpu.memory_space<vmem_shared>> -> memref<1000000xf32, #tpu.memory_space<vmem_shared>>
      tpu.wait_indirect_dma semaphore(%arg10 : memref<!tpu.dma_semaphore, #tpu.memory_space<semaphore_mem>>) src(%dma_wait3A_222 : memref<1000000xf32, #tpu.memory_space<vmem_shared>>) dst(%dma_wait3A_214 : memref<128xf32, #tpu.memory_space<vmem>>)
      %mul3A_223 = arith.constant 4 : i32
      %mul3A_224 = arith.muli %scan3A_202, %mul3A_223 : i32
      %add3A_225 = arith.constant 1 : i32
      %add3A_226 = arith.addi %mul3A_224, %add3A_225 : i32
      %mul3A_227 = arith.constant 4 : i32
      %mul3A_228 = arith.muli %scan3A_202, %mul3A_227 : i32
      %add3A_229 = arith.constant 1 : i32
      %add3A_230 = arith.addi %mul3A_228, %add3A_229 : i32
      %dma_wait3A_231 = arith.constant 0 : i32
      %dma_wait3A_232 = tpu.memref_slice %arg8[%add3A_230, %dma_wait3A_231] : memref<100x128xf32, #tpu.memory_space<vmem>> -> memref<1x128xf32, #tpu.memory_space<vmem>>
      %dma_wait3A_233 = tpu.memref_squeeze %dma_wait3A_232 : memref<1x128xf32, #tpu.memory_space<vmem>> -> memref<128xf32, #tpu.memory_space<vmem>>
      %dma_wait3A_234 = arith.constant 0 : i32
      %dma_wait3A_235 = tpu.memref_slice %arg6[%add3A_226, %dma_wait3A_234] : memref<100x128xi32, #tpu.memory_space<vmem>> -> memref<1x128xi32, #tpu.memory_space<vmem>>
      %dma_wait3A_236 = tpu.memref_squeeze %dma_wait3A_235 : memref<1x128xi32, #tpu.memory_space<vmem>> -> memref<128xi32, #tpu.memory_space<vmem>>
      %dma_wait3A_237 = arith.constant 0 : i32
      %dma_wait3A_238 = tpu.memref_slice %arg5[%scan3A_144, %dma_wait3A_237] : memref<1x1000000xf32, #tpu.memory_space<vmem_shared>> -> memref<1x1000000xf32, #tpu.memory_space<vmem_shared>>
      %dma_wait3A_239 = tpu.memref_squeeze %dma_wait3A_238 : memref<1x1000000xf32, #tpu.memory_space<vmem_shared>> -> memref<1000000xf32, #tpu.memory_space<vmem_shared>>
      %dma_wait3A_240 = arith.constant 0 : i32
      %dma_wait3A_241 = tpu.memref_slice %dma_wait3A_239[%dma_wait3A_240] : memref<1000000xf32, #tpu.memory_space<vmem_shared>> -> memref<1000000xf32, #tpu.memory_space<vmem_shared>>
      tpu.wait_indirect_dma semaphore(%arg10 : memref<!tpu.dma_semaphore, #tpu.memory_space<semaphore_mem>>) src(%dma_wait3A_241 : memref<1000000xf32, #tpu.memory_space<vmem_shared>>) dst(%dma_wait3A_233 : memref<128xf32, #tpu.memory_space<vmem>>)
      %mul3A_242 = arith.constant 4 : i32
      %mul3A_243 = arith.muli %scan3A_202, %mul3A_242 : i32
      %add3A_244 = arith.constant 2 : i32
      %add3A_245 = arith.addi %mul3A_243, %add3A_244 : i32
      %mul3A_246 = arith.constant 4 : i32
      %mul3A_247 = arith.muli %scan3A_202, %mul3A_246 : i32
      %add3A_248 = arith.constant 2 : i32
      %add3A_249 = arith.addi %mul3A_247, %add3A_248 : i32
      %dma_wait3A_250 = arith.constant 0 : i32
      %dma_wait3A_251 = tpu.memref_slice %arg8[%add3A_249, %dma_wait3A_250] : memref<100x128xf32, #tpu.memory_space<vmem>> -> memref<1x128xf32, #tpu.memory_space<vmem>>
      %dma_wait3A_252 = tpu.memref_squeeze %dma_wait3A_251 : memref<1x128xf32, #tpu.memory_space<vmem>> -> memref<128xf32, #tpu.memory_space<vmem>>
      %dma_wait3A_253 = arith.constant 0 : i32
      %dma_wait3A_254 = tpu.memref_slice %arg6[%add3A_245, %dma_wait3A_253] : memref<100x128xi32, #tpu.memory_space<vmem>> -> memref<1x128xi32, #tpu.memory_space<vmem>>
      %dma_wait3A_255 = tpu.memref_squeeze %dma_wait3A_254 : memref<1x128xi32, #tpu.memory_space<vmem>> -> memref<128xi32, #tpu.memory_space<vmem>>
      %dma_wait3A_256 = arith.constant 0 : i32
      %dma_wait3A_257 = tpu.memref_slice %arg5[%scan3A_144, %dma_wait3A_256] : memref<1x1000000xf32, #tpu.memory_space<vmem_shared>> -> memref<1x1000000xf32, #tpu.memory_space<vmem_shared>>
      %dma_wait3A_258 = tpu.memref_squeeze %dma_wait3A_257 : memref<1x1000000xf32, #tpu.memory_space<vmem_shared>> -> memref<1000000xf32, #tpu.memory_space<vmem_shared>>
      %dma_wait3A_259 = arith.constant 0 : i32
      %dma_wait3A_260 = tpu.memref_slice %dma_wait3A_258[%dma_wait3A_259] : memref<1000000xf32, #tpu.memory_space<vmem_shared>> -> memref<1000000xf32, #tpu.memory_space<vmem_shared>>
      tpu.wait_indirect_dma semaphore(%arg10 : memref<!tpu.dma_semaphore, #tpu.memory_space<semaphore_mem>>) src(%dma_wait3A_260 : memref<1000000xf32, #tpu.memory_space<vmem_shared>>) dst(%dma_wait3A_252 : memref<128xf32, #tpu.memory_space<vmem>>)
      %mul3A_261 = arith.constant 4 : i32
      %mul3A_262 = arith.muli %scan3A_202, %mul3A_261 : i32
      %add3A_263 = arith.constant 3 : i32
      %add3A_264 = arith.addi %mul3A_262, %add3A_263 : i32
      %mul3A_265 = arith.constant 4 : i32
      %mul3A_266 = arith.muli %scan3A_202, %mul3A_265 : i32
      %add3A_267 = arith.constant 3 : i32
      %add3A_268 = arith.addi %mul3A_266, %add3A_267 : i32
      %dma_wait3A_269 = arith.constant 0 : i32
      %dma_wait3A_270 = tpu.memref_slice %arg8[%add3A_268, %dma_wait3A_269] : memref<100x128xf32, #tpu.memory_space<vmem>> -> memref<1x128xf32, #tpu.memory_space<vmem>>
      %dma_wait3A_271 = tpu.memref_squeeze %dma_wait3A_270 : memref<1x128xf32, #tpu.memory_space<vmem>> -> memref<128xf32, #tpu.memory_space<vmem>>
      %dma_wait3A_272 = arith.constant 0 : i32
      %dma_wait3A_273 = tpu.memref_slice %arg6[%add3A_264, %dma_wait3A_272] : memref<100x128xi32, #tpu.memory_space<vmem>> -> memref<1x128xi32, #tpu.memory_space<vmem>>
      %dma_wait3A_274 = tpu.memref_squeeze %dma_wait3A_273 : memref<1x128xi32, #tpu.memory_space<vmem>> -> memref<128xi32, #tpu.memory_space<vmem>>
      %dma_wait3A_275 = arith.constant 0 : i32
      %dma_wait3A_276 = tpu.memref_slice %arg5[%scan3A_144, %dma_wait3A_275] : memref<1x1000000xf32, #tpu.memory_space<vmem_shared>> -> memref<1x1000000xf32, #tpu.memory_space<vmem_shared>>
      %dma_wait3A_277 = tpu.memref_squeeze %dma_wait3A_276 : memref<1x1000000xf32, #tpu.memory_space<vmem_shared>> -> memref<1000000xf32, #tpu.memory_space<vmem_shared>>
      %dma_wait3A_278 = arith.constant 0 : i32
      %dma_wait3A_279 = tpu.memref_slice %dma_wait3A_277[%dma_wait3A_278] : memref<1000000xf32, #tpu.memory_space<vmem_shared>> -> memref<1000000xf32, #tpu.memory_space<vmem_shared>>
      tpu.wait_indirect_dma semaphore(%arg10 : memref<!tpu.dma_semaphore, #tpu.memory_space<semaphore_mem>>) src(%dma_wait3A_279 : memref<1000000xf32, #tpu.memory_space<vmem_shared>>) dst(%dma_wait3A_271 : memref<128xf32, #tpu.memory_space<vmem>>)
      %scan3A_280 = arith.constant 0 : i32
      scf.yield %scan3A_280 : i32
    }
    %scan3A_151 = arith.constant 25 : i32
    %scan3A_152 = arith.constant 9.99999996E-13 : f32
    %scan3A_153 = arith.constant 1.000000e+00 : f32
    %scan3A_154 = arith.constant 0 : i32
    %scan3A_155 = arith.constant 0 : i32
    %scan3A_156 = arith.constant 200 : i32
    %scan3A_157 = arith.addi %scan3A_155, %scan3A_156 : i32
    %scan3A_158 = arith.constant 1 : i32
    %scan3A_159 = scf.for %scan3A_202 = %scan3A_155 to %scan3A_157 step %scan3A_158 iter_args(%scan3A_203 = %scan3A_154) -> (i32)  : i32 {
      %jit3A = arith.constant 2 : i32
      %div3A = arith.divsi %scan3A_202, %jit3A : i32
      %sign3A = arith.constant 0 : i32
      %sign3A_204 = arith.cmpi sgt, %scan3A_202, %sign3A : i32
      %sign3A_205 = arith.extui %sign3A_204 : i1 to i32
      %sign3A_206 = arith.constant 0 : i32
      %sign3A_207 = arith.cmpi slt, %scan3A_202, %sign3A_206 : i32
      %sign3A_208 = arith.extui %sign3A_207 : i1 to i32
      %sign3A_209 = arith.subi %sign3A_205, %sign3A_208 : i32
      %sign3A_210 = arith.constant 0 : i32
      %sign3A_211 = arith.cmpi sgt, %jit3A, %sign3A_210 : i32
      %sign3A_212 = arith.extui %sign3A_211 : i1 to i32
      %sign3A_213 = arith.constant 0 : i32
      %sign3A_214 = arith.cmpi slt, %jit3A, %sign3A_213 : i32
      %sign3A_215 = arith.extui %sign3A_214 : i1 to i32
      %sign3A_216 = arith.subi %sign3A_212, %sign3A_215 : i32
      %ne3A = arith.cmpi ne, %sign3A_209, %sign3A_216 : i32
      %rem3A = arith.remsi %scan3A_202, %jit3A : i32
      %ne3A_217 = arith.constant 0 : i32
      %ne3A_218 = arith.cmpi ne, %rem3A, %ne3A_217 : i32
      %and3A = arith.andi %ne3A, %ne3A_218 : i1
      %sub3A = arith.constant 1 : i32
      %sub3A_219 = arith.subi %div3A, %sub3A : i32
      %select_n3A = arith.select %and3A, %sub3A_219, %div3A : i32
      %jit3A_220 = arith.constant 2 : i32
      %eq3A_221 = arith.constant 0 : i32
      %eq3A_222 = arith.cmpi eq, %jit3A_220, %eq3A_221 : i32
      %jit3A_223 = arith.constant 1 : i32
      %select_n3A_224 = arith.select %eq3A_222, %jit3A_223, %jit3A_220 : i32
      %rem3A_225 = arith.remsi %scan3A_202, %select_n3A_224 : i32
      %ne3A_226 = arith.constant 0 : i32
      %ne3A_227 = arith.cmpi ne, %rem3A_225, %ne3A_226 : i32
      %lt3A_228 = arith.constant 0 : i32
      %lt3A_229 = arith.cmpi slt, %rem3A_225, %lt3A_228 : i32
      %lt3A_230 = arith.constant 0 : i32
      %lt3A_231 = arith.cmpi slt, %select_n3A_224, %lt3A_230 : i32
      %ne3A_232 = arith.xori %lt3A_229, %lt3A_231 : i1
      %and3A_233 = arith.andi %ne3A_232, %ne3A_227 : i1
      %add3A_234 = arith.addi %rem3A_225, %select_n3A_224 : i32
      %select_n3A_235 = arith.select %and3A_233, %add3A_234, %rem3A_225 : i32
      %mul3A_236 = arith.constant 64 : i32
      %mul3A_237 = arith.muli %select_n3A_235, %mul3A_236 : i32
      %add3A_238 = arith.constant 0 : i32
      %add3A_239 = arith.addi %mul3A_237, %add3A_238 : i32
      %get3A = arith.index_cast %select_n3A : i32 to index
      %get3A_240 = arith.index_cast %add3A_239 : i32 to index
      %get3A_241 = tpu.vector_load %arg8[%get3A, %get3A_240] {strides = array<i32>} : memref<100x128xf32, #tpu.memory_space<vmem>>, vector<1x16xf32>,
      %get3A_242 = vector.shape_cast %get3A_241 : vector<1x16xf32> to vector<16xf32>
      %max3A = vector.broadcast %scan3A_152 : f32 to vector<16xf32>
      %max3A_243 = arith.maximumf %get3A_242, %max3A : vector<16xf32>
      %min3A = vector.broadcast %scan3A_153 : f32 to vector<16xf32>
      %min3A_244 = arith.minimumf %max3A_243, %min3A : vector<16xf32>
      %swap3A = arith.index_cast %select_n3A : i32 to index
      %swap3A_245 = arith.index_cast %add3A_239 : i32 to index
      %swap3A_246 = tpu.vector_load %arg8[%swap3A, %swap3A_245] {strides = array<i32>} : memref<100x128xf32, #tpu.memory_space<vmem>>, vector<1x16xf32>,
      %swap3A_247 = vector.shape_cast %swap3A_246 : vector<1x16xf32> to vector<16xf32>
      %swap3A_248 = vector.shape_cast %min3A_244 : vector<16xf32> to vector<1x16xf32>
      tpu.vector_store %arg8[%swap3A, %swap3A_245], %swap3A_248 {strides = array<i32>} : memref<100x128xf32, #tpu.memory_space<vmem>>, vector<1x16xf32>,
      %add3A_249 = arith.constant 16 : i32
      %add3A_250 = arith.addi %mul3A_237, %add3A_249 : i32
      %get3A_251 = arith.index_cast %select_n3A : i32 to index
      %get3A_252 = arith.index_cast %add3A_250 : i32 to index
      %get3A_253 = tpu.vector_load %arg8[%get3A_251, %get3A_252] {strides = array<i32>} : memref<100x128xf32, #tpu.memory_space<vmem>>, vector<1x16xf32>,
      %get3A_254 = vector.shape_cast %get3A_253 : vector<1x16xf32> to vector<16xf32>
      %max3A_255 = vector.broadcast %scan3A_152 : f32 to vector<16xf32>
      %max3A_256 = arith.maximumf %get3A_254, %max3A_255 : vector<16xf32>
      %min3A_257 = vector.broadcast %scan3A_153 : f32 to vector<16xf32>
      %min3A_258 = arith.minimumf %max3A_256, %min3A_257 : vector<16xf32>
      %swap3A_259 = arith.index_cast %select_n3A : i32 to index
      %swap3A_260 = arith.index_cast %add3A_250 : i32 to index
      %swap3A_261 = tpu.vector_load %arg8[%swap3A_259, %swap3A_260] {strides = array<i32>} : memref<100x128xf32, #tpu.memory_space<vmem>>, vector<1x16xf32>,
      %swap3A_262 = vector.shape_cast %swap3A_261 : vector<1x16xf32> to vector<16xf32>
      %swap3A_263 = vector.shape_cast %min3A_258 : vector<16xf32> to vector<1x16xf32>
      tpu.vector_store %arg8[%swap3A_259, %swap3A_260], %swap3A_263 {strides = array<i32>} : memref<100x128xf32, #tpu.memory_space<vmem>>, vector<1x16xf32>,
      %add3A_264 = arith.constant 32 : i32
      %add3A_265 = arith.addi %mul3A_237, %add3A_264 : i32
      %get3A_266 = arith.index_cast %select_n3A : i32 to index
      %get3A_267 = arith.index_cast %add3A_265 : i32 to index
      %get3A_268 = tpu.vector_load %arg8[%get3A_266, %get3A_267] {strides = array<i32>} : memref<100x128xf32, #tpu.memory_space<vmem>>, vector<1x16xf32>,
      %get3A_269 = vector.shape_cast %get3A_268 : vector<1x16xf32> to vector<16xf32>
      %max3A_270 = vector.broadcast %scan3A_152 : f32 to vector<16xf32>
      %max3A_271 = arith.maximumf %get3A_269, %max3A_270 : vector<16xf32>
      %min3A_272 = vector.broadcast %scan3A_153 : f32 to vector<16xf32>
      %min3A_273 = arith.minimumf %max3A_271, %min3A_272 : vector<16xf32>
      %swap3A_274 = arith.index_cast %select_n3A : i32 to index
      %swap3A_275 = arith.index_cast %add3A_265 : i32 to index
      %swap3A_276 = tpu.vector_load %arg8[%swap3A_274, %swap3A_275] {strides = array<i32>} : memref<100x128xf32, #tpu.memory_space<vmem>>, vector<1x16xf32>,
      %swap3A_277 = vector.shape_cast %swap3A_276 : vector<1x16xf32> to vector<16xf32>
      %swap3A_278 = vector.shape_cast %min3A_273 : vector<16xf32> to vector<1x16xf32>
      tpu.vector_store %arg8[%swap3A_274, %swap3A_275], %swap3A_278 {strides = array<i32>} : memref<100x128xf32, #tpu.memory_space<vmem>>, vector<1x16xf32>,
      %add3A_279 = arith.constant 48 : i32
      %add3A_280 = arith.addi %mul3A_237, %add3A_279 : i32
      %get3A_281 = arith.index_cast %select_n3A : i32 to index
      %get3A_282 = arith.index_cast %add3A_280 : i32 to index
      %get3A_283 = tpu.vector_load %arg8[%get3A_281, %get3A_282] {strides = array<i32>} : memref<100x128xf32, #tpu.memory_space<vmem>>, vector<1x16xf32>,
      %get3A_284 = vector.shape_cast %get3A_283 : vector<1x16xf32> to vector<16xf32>
      %max3A_285 = vector.broadcast %scan3A_152 : f32 to vector<16xf32>
      %max3A_286 = arith.maximumf %get3A_284, %max3A_285 : vector<16xf32>
      %min3A_287 = vector.broadcast %scan3A_153 : f32 to vector<16xf32>
      %min3A_288 = arith.minimumf %max3A_286, %min3A_287 : vector<16xf32>
      %swap3A_289 = arith.index_cast %select_n3A : i32 to index
      %swap3A_290 = arith.index_cast %add3A_280 : i32 to index
      %swap3A_291 = tpu.vector_load %arg8[%swap3A_289, %swap3A_290] {strides = array<i32>} : memref<100x128xf32, #tpu.memory_space<vmem>>, vector<1x16xf32>,
      %swap3A_292 = vector.shape_cast %swap3A_291 : vector<1x16xf32> to vector<16xf32>
      %swap3A_293 = vector.shape_cast %min3A_288 : vector<16xf32> to vector<1x16xf32>
      tpu.vector_store %arg8[%swap3A_289, %swap3A_290], %swap3A_293 {strides = array<i32>} : memref<100x128xf32, #tpu.memory_space<vmem>>, vector<1x16xf32>,
      %scan3A_294 = arith.constant 0 : i32
      scf.yield %scan3A_294 : i32
    }
    %scan3A_160 = arith.constant 200 : i32
    %add3A_161 = arith.constant 256 : i32
    %add3A_162 = arith.addi %mul3A_2, %add3A_161 : i32
    %dma_start3A_163 = arith.constant 0 : i32
    %dma_start3A_164 = tpu.memref_slice %arg4[%dma_start3A_163, %add3A_162] : memref<100x16384xf32, #tpu.memory_space<hbm>> -> memref<100x128xf32, #tpu.memory_space<hbm>>
    %dma_start3A_165 = arith.constant 0 : i32
    %dma_start3A_166 = tpu.memref_slice %arg4[%dma_start3A_165, %add3A_162] : memref<100x16384xf32, #tpu.memory_space<hbm>> -> memref<100x128xf32, #tpu.memory_space<hbm>>
    tpu.enqueue_dma source(%arg8 : memref<100x128xf32, #tpu.memory_space<vmem>>) target(%dma_start3A_166 : memref<100x128xf32, #tpu.memory_space<hbm>>) target_semaphore(%arg13 : memref<!tpu.dma_semaphore, #tpu.memory_space<semaphore_mem>>)
    %scan3A_167 = arith.constant 0 : i32
    %scan3A_168 = arith.constant 0 : i32
    %scan3A_169 = arith.constant 0 : i32
    %scan3A_170 = arith.constant 25 : i32
    %scan3A_171 = arith.addi %scan3A_169, %scan3A_170 : i32
    %scan3A_172 = arith.constant 1 : i32
    %scan3A_173 = scf.for %scan3A_202 = %scan3A_169 to %scan3A_171 step %scan3A_172 iter_args(%scan3A_203 = %scan3A_168) -> (i32)  : i32 {
      %mul3A_204 = arith.constant 4 : i32
      %mul3A_205 = arith.muli %scan3A_202, %mul3A_204 : i32
      %add3A_206 = arith.constant 0 : i32
      %add3A_207 = arith.addi %mul3A_205, %add3A_206 : i32
      %mul3A_208 = arith.constant 4 : i32
      %mul3A_209 = arith.muli %scan3A_202, %mul3A_208 : i32
      %add3A_210 = arith.constant 0 : i32
      %add3A_211 = arith.addi %mul3A_209, %add3A_210 : i32
      %dma_wait3A_212 = arith.constant 0 : i32
      %dma_wait3A_213 = tpu.memref_slice %arg9[%add3A_211, %dma_wait3A_212] : memref<100x128xf32, #tpu.memory_space<vmem>> -> memref<1x128xf32, #tpu.memory_space<vmem>>
      %dma_wait3A_214 = tpu.memref_squeeze %dma_wait3A_213 : memref<1x128xf32, #tpu.memory_space<vmem>> -> memref<128xf32, #tpu.memory_space<vmem>>
      %dma_wait3A_215 = arith.constant 0 : i32
      %dma_wait3A_216 = tpu.memref_slice %arg7[%add3A_207, %dma_wait3A_215] : memref<100x128xi32, #tpu.memory_space<vmem>> -> memref<1x128xi32, #tpu.memory_space<vmem>>
      %dma_wait3A_217 = tpu.memref_squeeze %dma_wait3A_216 : memref<1x128xi32, #tpu.memory_space<vmem>> -> memref<128xi32, #tpu.memory_space<vmem>>
      %dma_wait3A_218 = arith.constant 0 : i32
      %dma_wait3A_219 = tpu.memref_slice %arg5[%scan3A_167, %dma_wait3A_218] : memref<1x1000000xf32, #tpu.memory_space<vmem_shared>> -> memref<1x1000000xf32, #tpu.memory_space<vmem_shared>>
      %dma_wait3A_220 = tpu.memref_squeeze %dma_wait3A_219 : memref<1x1000000xf32, #tpu.memory_space<vmem_shared>> -> memref<1000000xf32, #tpu.memory_space<vmem_shared>>
      %dma_wait3A_221 = arith.constant 0 : i32
      %dma_wait3A_222 = tpu.memref_slice %dma_wait3A_220[%dma_wait3A_221] : memref<1000000xf32, #tpu.memory_space<vmem_shared>> -> memref<1000000xf32, #tpu.memory_space<vmem_shared>>
      tpu.wait_indirect_dma semaphore(%arg11 : memref<!tpu.dma_semaphore, #tpu.memory_space<semaphore_mem>>) src(%dma_wait3A_222 : memref<1000000xf32, #tpu.memory_space<vmem_shared>>) dst(%dma_wait3A_214 : memref<128xf32, #tpu.memory_space<vmem>>)
      %mul3A_223 = arith.constant 4 : i32
      %mul3A_224 = arith.muli %scan3A_202, %mul3A_223 : i32
      %add3A_225 = arith.constant 1 : i32
      %add3A_226 = arith.addi %mul3A_224, %add3A_225 : i32
      %mul3A_227 = arith.constant 4 : i32
      %mul3A_228 = arith.muli %scan3A_202, %mul3A_227 : i32
      %add3A_229 = arith.constant 1 : i32
      %add3A_230 = arith.addi %mul3A_228, %add3A_229 : i32
      %dma_wait3A_231 = arith.constant 0 : i32
      %dma_wait3A_232 = tpu.memref_slice %arg9[%add3A_230, %dma_wait3A_231] : memref<100x128xf32, #tpu.memory_space<vmem>> -> memref<1x128xf32, #tpu.memory_space<vmem>>
      %dma_wait3A_233 = tpu.memref_squeeze %dma_wait3A_232 : memref<1x128xf32, #tpu.memory_space<vmem>> -> memref<128xf32, #tpu.memory_space<vmem>>
      %dma_wait3A_234 = arith.constant 0 : i32
      %dma_wait3A_235 = tpu.memref_slice %arg7[%add3A_226, %dma_wait3A_234] : memref<100x128xi32, #tpu.memory_space<vmem>> -> memref<1x128xi32, #tpu.memory_space<vmem>>
      %dma_wait3A_236 = tpu.memref_squeeze %dma_wait3A_235 : memref<1x128xi32, #tpu.memory_space<vmem>> -> memref<128xi32, #tpu.memory_space<vmem>>
      %dma_wait3A_237 = arith.constant 0 : i32
      %dma_wait3A_238 = tpu.memref_slice %arg5[%scan3A_167, %dma_wait3A_237] : memref<1x1000000xf32, #tpu.memory_space<vmem_shared>> -> memref<1x1000000xf32, #tpu.memory_space<vmem_shared>>
      %dma_wait3A_239 = tpu.memref_squeeze %dma_wait3A_238 : memref<1x1000000xf32, #tpu.memory_space<vmem_shared>> -> memref<1000000xf32, #tpu.memory_space<vmem_shared>>
      %dma_wait3A_240 = arith.constant 0 : i32
      %dma_wait3A_241 = tpu.memref_slice %dma_wait3A_239[%dma_wait3A_240] : memref<1000000xf32, #tpu.memory_space<vmem_shared>> -> memref<1000000xf32, #tpu.memory_space<vmem_shared>>
      tpu.wait_indirect_dma semaphore(%arg11 : memref<!tpu.dma_semaphore, #tpu.memory_space<semaphore_mem>>) src(%dma_wait3A_241 : memref<1000000xf32, #tpu.memory_space<vmem_shared>>) dst(%dma_wait3A_233 : memref<128xf32, #tpu.memory_space<vmem>>)
      %mul3A_242 = arith.constant 4 : i32
      %mul3A_243 = arith.muli %scan3A_202, %mul3A_242 : i32
      %add3A_244 = arith.constant 2 : i32
      %add3A_245 = arith.addi %mul3A_243, %add3A_244 : i32
      %mul3A_246 = arith.constant 4 : i32
      %mul3A_247 = arith.muli %scan3A_202, %mul3A_246 : i32
      %add3A_248 = arith.constant 2 : i32
      %add3A_249 = arith.addi %mul3A_247, %add3A_248 : i32
      %dma_wait3A_250 = arith.constant 0 : i32
      %dma_wait3A_251 = tpu.memref_slice %arg9[%add3A_249, %dma_wait3A_250] : memref<100x128xf32, #tpu.memory_space<vmem>> -> memref<1x128xf32, #tpu.memory_space<vmem>>
      %dma_wait3A_252 = tpu.memref_squeeze %dma_wait3A_251 : memref<1x128xf32, #tpu.memory_space<vmem>> -> memref<128xf32, #tpu.memory_space<vmem>>
      %dma_wait3A_253 = arith.constant 0 : i32
      %dma_wait3A_254 = tpu.memref_slice %arg7[%add3A_245, %dma_wait3A_253] : memref<100x128xi32, #tpu.memory_space<vmem>> -> memref<1x128xi32, #tpu.memory_space<vmem>>
      %dma_wait3A_255 = tpu.memref_squeeze %dma_wait3A_254 : memref<1x128xi32, #tpu.memory_space<vmem>> -> memref<128xi32, #tpu.memory_space<vmem>>
      %dma_wait3A_256 = arith.constant 0 : i32
      %dma_wait3A_257 = tpu.memref_slice %arg5[%scan3A_167, %dma_wait3A_256] : memref<1x1000000xf32, #tpu.memory_space<vmem_shared>> -> memref<1x1000000xf32, #tpu.memory_space<vmem_shared>>
      %dma_wait3A_258 = tpu.memref_squeeze %dma_wait3A_257 : memref<1x1000000xf32, #tpu.memory_space<vmem_shared>> -> memref<1000000xf32, #tpu.memory_space<vmem_shared>>
      %dma_wait3A_259 = arith.constant 0 : i32
      %dma_wait3A_260 = tpu.memref_slice %dma_wait3A_258[%dma_wait3A_259] : memref<1000000xf32, #tpu.memory_space<vmem_shared>> -> memref<1000000xf32, #tpu.memory_space<vmem_shared>>
      tpu.wait_indirect_dma semaphore(%arg11 : memref<!tpu.dma_semaphore, #tpu.memory_space<semaphore_mem>>) src(%dma_wait3A_260 : memref<1000000xf32, #tpu.memory_space<vmem_shared>>) dst(%dma_wait3A_252 : memref<128xf32, #tpu.memory_space<vmem>>)
      %mul3A_261 = arith.constant 4 : i32
      %mul3A_262 = arith.muli %scan3A_202, %mul3A_261 : i32
      %add3A_263 = arith.constant 3 : i32
      %add3A_264 = arith.addi %mul3A_262, %add3A_263 : i32
      %mul3A_265 = arith.constant 4 : i32
      %mul3A_266 = arith.muli %scan3A_202, %mul3A_265 : i32
      %add3A_267 = arith.constant 3 : i32
      %add3A_268 = arith.addi %mul3A_266, %add3A_267 : i32
      %dma_wait3A_269 = arith.constant 0 : i32
      %dma_wait3A_270 = tpu.memref_slice %arg9[%add3A_268, %dma_wait3A_269] : memref<100x128xf32, #tpu.memory_space<vmem>> -> memref<1x128xf32, #tpu.memory_space<vmem>>
      %dma_wait3A_271 = tpu.memref_squeeze %dma_wait3A_270 : memref<1x128xf32, #tpu.memory_space<vmem>> -> memref<128xf32, #tpu.memory_space<vmem>>
      %dma_wait3A_272 = arith.constant 0 : i32
      %dma_wait3A_273 = tpu.memref_slice %arg7[%add3A_264, %dma_wait3A_272] : memref<100x128xi32, #tpu.memory_space<vmem>> -> memref<1x128xi32, #tpu.memory_space<vmem>>
      %dma_wait3A_274 = tpu.memref_squeeze %dma_wait3A_273 : memref<1x128xi32, #tpu.memory_space<vmem>> -> memref<128xi32, #tpu.memory_space<vmem>>
      %dma_wait3A_275 = arith.constant 0 : i32
      %dma_wait3A_276 = tpu.memref_slice %arg5[%scan3A_167, %dma_wait3A_275] : memref<1x1000000xf32, #tpu.memory_space<vmem_shared>> -> memref<1x1000000xf32, #tpu.memory_space<vmem_shared>>
      %dma_wait3A_277 = tpu.memref_squeeze %dma_wait3A_276 : memref<1x1000000xf32, #tpu.memory_space<vmem_shared>> -> memref<1000000xf32, #tpu.memory_space<vmem_shared>>
      %dma_wait3A_278 = arith.constant 0 : i32
      %dma_wait3A_279 = tpu.memref_slice %dma_wait3A_277[%dma_wait3A_278] : memref<1000000xf32, #tpu.memory_space<vmem_shared>> -> memref<1000000xf32, #tpu.memory_space<vmem_shared>>
      tpu.wait_indirect_dma semaphore(%arg11 : memref<!tpu.dma_semaphore, #tpu.memory_space<semaphore_mem>>) src(%dma_wait3A_279 : memref<1000000xf32, #tpu.memory_space<vmem_shared>>) dst(%dma_wait3A_271 : memref<128xf32, #tpu.memory_space<vmem>>)
      %scan3A_280 = arith.constant 0 : i32
      scf.yield %scan3A_280 : i32
    }
    %scan3A_174 = arith.constant 25 : i32
    %scan3A_175 = arith.constant 9.99999996E-13 : f32
    %scan3A_176 = arith.constant 1.000000e+00 : f32
    %scan3A_177 = arith.constant 0 : i32
    %scan3A_178 = arith.constant 0 : i32
    %scan3A_179 = arith.constant 200 : i32
    %scan3A_180 = arith.addi %scan3A_178, %scan3A_179 : i32
    %scan3A_181 = arith.constant 1 : i32
    %scan3A_182 = scf.for %scan3A_202 = %scan3A_178 to %scan3A_180 step %scan3A_181 iter_args(%scan3A_203 = %scan3A_177) -> (i32)  : i32 {
      %jit3A = arith.constant 2 : i32
      %div3A = arith.divsi %scan3A_202, %jit3A : i32
      %sign3A = arith.constant 0 : i32
      %sign3A_204 = arith.cmpi sgt, %scan3A_202, %sign3A : i32
      %sign3A_205 = arith.extui %sign3A_204 : i1 to i32
      %sign3A_206 = arith.constant 0 : i32
      %sign3A_207 = arith.cmpi slt, %scan3A_202, %sign3A_206 : i32
      %sign3A_208 = arith.extui %sign3A_207 : i1 to i32
      %sign3A_209 = arith.subi %sign3A_205, %sign3A_208 : i32
      %sign3A_210 = arith.constant 0 : i32
      %sign3A_211 = arith.cmpi sgt, %jit3A, %sign3A_210 : i32
      %sign3A_212 = arith.extui %sign3A_211 : i1 to i32
      %sign3A_213 = arith.constant 0 : i32
      %sign3A_214 = arith.cmpi slt, %jit3A, %sign3A_213 : i32
      %sign3A_215 = arith.extui %sign3A_214 : i1 to i32
      %sign3A_216 = arith.subi %sign3A_212, %sign3A_215 : i32
      %ne3A = arith.cmpi ne, %sign3A_209, %sign3A_216 : i32
      %rem3A = arith.remsi %scan3A_202, %jit3A : i32
      %ne3A_217 = arith.constant 0 : i32
      %ne3A_218 = arith.cmpi ne, %rem3A, %ne3A_217 : i32
      %and3A = arith.andi %ne3A, %ne3A_218 : i1
      %sub3A = arith.constant 1 : i32
      %sub3A_219 = arith.subi %div3A, %sub3A : i32
      %select_n3A = arith.select %and3A, %sub3A_219, %div3A : i32
      %jit3A_220 = arith.constant 2 : i32
      %eq3A_221 = arith.constant 0 : i32
      %eq3A_222 = arith.cmpi eq, %jit3A_220, %eq3A_221 : i32
      %jit3A_223 = arith.constant 1 : i32
      %select_n3A_224 = arith.select %eq3A_222, %jit3A_223, %jit3A_220 : i32
      %rem3A_225 = arith.remsi %scan3A_202, %select_n3A_224 : i32
      %ne3A_226 = arith.constant 0 : i32
      %ne3A_227 = arith.cmpi ne, %rem3A_225, %ne3A_226 : i32
      %lt3A_228 = arith.constant 0 : i32
      %lt3A_229 = arith.cmpi slt, %rem3A_225, %lt3A_228 : i32
      %lt3A_230 = arith.constant 0 : i32
      %lt3A_231 = arith.cmpi slt, %select_n3A_224, %lt3A_230 : i32
      %ne3A_232 = arith.xori %lt3A_229, %lt3A_231 : i1
      %and3A_233 = arith.andi %ne3A_232, %ne3A_227 : i1
      %add3A_234 = arith.addi %rem3A_225, %select_n3A_224 : i32
      %select_n3A_235 = arith.select %and3A_233, %add3A_234, %rem3A_225 : i32
      %mul3A_236 = arith.constant 64 : i32
      %mul3A_237 = arith.muli %select_n3A_235, %mul3A_236 : i32
      %add3A_238 = arith.constant 0 : i32
      %add3A_239 = arith.addi %mul3A_237, %add3A_238 : i32
      %get3A = arith.index_cast %select_n3A : i32 to index
      %get3A_240 = arith.index_cast %add3A_239 : i32 to index
      %get3A_241 = tpu.vector_load %arg9[%get3A, %get3A_240] {strides = array<i32>} : memref<100x128xf32, #tpu.memory_space<vmem>>, vector<1x16xf32>,
      %get3A_242 = vector.shape_cast %get3A_241 : vector<1x16xf32> to vector<16xf32>
      %max3A = vector.broadcast %scan3A_175 : f32 to vector<16xf32>
      %max3A_243 = arith.maximumf %get3A_242, %max3A : vector<16xf32>
      %min3A = vector.broadcast %scan3A_176 : f32 to vector<16xf32>
      %min3A_244 = arith.minimumf %max3A_243, %min3A : vector<16xf32>
      %swap3A = arith.index_cast %select_n3A : i32 to index
      %swap3A_245 = arith.index_cast %add3A_239 : i32 to index
      %swap3A_246 = tpu.vector_load %arg9[%swap3A, %swap3A_245] {strides = array<i32>} : memref<100x128xf32, #tpu.memory_space<vmem>>, vector<1x16xf32>,
      %swap3A_247 = vector.shape_cast %swap3A_246 : vector<1x16xf32> to vector<16xf32>
      %swap3A_248 = vector.shape_cast %min3A_244 : vector<16xf32> to vector<1x16xf32>
      tpu.vector_store %arg9[%swap3A, %swap3A_245], %swap3A_248 {strides = array<i32>} : memref<100x128xf32, #tpu.memory_space<vmem>>, vector<1x16xf32>,
      %add3A_249 = arith.constant 16 : i32
      %add3A_250 = arith.addi %mul3A_237, %add3A_249 : i32
      %get3A_251 = arith.index_cast %select_n3A : i32 to index
      %get3A_252 = arith.index_cast %add3A_250 : i32 to index
      %get3A_253 = tpu.vector_load %arg9[%get3A_251, %get3A_252] {strides = array<i32>} : memref<100x128xf32, #tpu.memory_space<vmem>>, vector<1x16xf32>,
      %get3A_254 = vector.shape_cast %get3A_253 : vector<1x16xf32> to vector<16xf32>
      %max3A_255 = vector.broadcast %scan3A_175 : f32 to vector<16xf32>
      %max3A_256 = arith.maximumf %get3A_254, %max3A_255 : vector<16xf32>
      %min3A_257 = vector.broadcast %scan3A_176 : f32 to vector<16xf32>
      %min3A_258 = arith.minimumf %max3A_256, %min3A_257 : vector<16xf32>
      %swap3A_259 = arith.index_cast %select_n3A : i32 to index
      %swap3A_260 = arith.index_cast %add3A_250 : i32 to index
      %swap3A_261 = tpu.vector_load %arg9[%swap3A_259, %swap3A_260] {strides = array<i32>} : memref<100x128xf32, #tpu.memory_space<vmem>>, vector<1x16xf32>,
      %swap3A_262 = vector.shape_cast %swap3A_261 : vector<1x16xf32> to vector<16xf32>
      %swap3A_263 = vector.shape_cast %min3A_258 : vector<16xf32> to vector<1x16xf32>
      tpu.vector_store %arg9[%swap3A_259, %swap3A_260], %swap3A_263 {strides = array<i32>} : memref<100x128xf32, #tpu.memory_space<vmem>>, vector<1x16xf32>,
      %add3A_264 = arith.constant 32 : i32
      %add3A_265 = arith.addi %mul3A_237, %add3A_264 : i32
      %get3A_266 = arith.index_cast %select_n3A : i32 to index
      %get3A_267 = arith.index_cast %add3A_265 : i32 to index
      %get3A_268 = tpu.vector_load %arg9[%get3A_266, %get3A_267] {strides = array<i32>} : memref<100x128xf32, #tpu.memory_space<vmem>>, vector<1x16xf32>,
      %get3A_269 = vector.shape_cast %get3A_268 : vector<1x16xf32> to vector<16xf32>
      %max3A_270 = vector.broadcast %scan3A_175 : f32 to vector<16xf32>
      %max3A_271 = arith.maximumf %get3A_269, %max3A_270 : vector<16xf32>
      %min3A_272 = vector.broadcast %scan3A_176 : f32 to vector<16xf32>
      %min3A_273 = arith.minimumf %max3A_271, %min3A_272 : vector<16xf32>
      %swap3A_274 = arith.index_cast %select_n3A : i32 to index
      %swap3A_275 = arith.index_cast %add3A_265 : i32 to index
      %swap3A_276 = tpu.vector_load %arg9[%swap3A_274, %swap3A_275] {strides = array<i32>} : memref<100x128xf32, #tpu.memory_space<vmem>>, vector<1x16xf32>,
      %swap3A_277 = vector.shape_cast %swap3A_276 : vector<1x16xf32> to vector<16xf32>
      %swap3A_278 = vector.shape_cast %min3A_273 : vector<16xf32> to vector<1x16xf32>
      tpu.vector_store %arg9[%swap3A_274, %swap3A_275], %swap3A_278 {strides = array<i32>} : memref<100x128xf32, #tpu.memory_space<vmem>>, vector<1x16xf32>,
      %add3A_279 = arith.constant 48 : i32
      %add3A_280 = arith.addi %mul3A_237, %add3A_279 : i32
      %get3A_281 = arith.index_cast %select_n3A : i32 to index
      %get3A_282 = arith.index_cast %add3A_280 : i32 to index
      %get3A_283 = tpu.vector_load %arg9[%get3A_281, %get3A_282] {strides = array<i32>} : memref<100x128xf32, #tpu.memory_space<vmem>>, vector<1x16xf32>,
      %get3A_284 = vector.shape_cast %get3A_283 : vector<1x16xf32> to vector<16xf32>
      %max3A_285 = vector.broadcast %scan3A_175 : f32 to vector<16xf32>
      %max3A_286 = arith.maximumf %get3A_284, %max3A_285 : vector<16xf32>
      %min3A_287 = vector.broadcast %scan3A_176 : f32 to vector<16xf32>
      %min3A_288 = arith.minimumf %max3A_286, %min3A_287 : vector<16xf32>
      %swap3A_289 = arith.index_cast %select_n3A : i32 to index
      %swap3A_290 = arith.index_cast %add3A_280 : i32 to index
      %swap3A_291 = tpu.vector_load %arg9[%swap3A_289, %swap3A_290] {strides = array<i32>} : memref<100x128xf32, #tpu.memory_space<vmem>>, vector<1x16xf32>,
      %swap3A_292 = vector.shape_cast %swap3A_291 : vector<1x16xf32> to vector<16xf32>
      %swap3A_293 = vector.shape_cast %min3A_288 : vector<16xf32> to vector<1x16xf32>
      tpu.vector_store %arg9[%swap3A_289, %swap3A_290], %swap3A_293 {strides = array<i32>} : memref<100x128xf32, #tpu.memory_space<vmem>>, vector<1x16xf32>,
      %scan3A_294 = arith.constant 0 : i32
      scf.yield %scan3A_294 : i32
    }
    %scan3A_183 = arith.constant 200 : i32
    %add3A_184 = arith.constant 384 : i32
    %add3A_185 = arith.addi %mul3A_2, %add3A_184 : i32
    %dma_start3A_186 = arith.constant 0 : i32
    %dma_start3A_187 = tpu.memref_slice %arg4[%dma_start3A_186, %add3A_185] : memref<100x16384xf32, #tpu.memory_space<hbm>> -> memref<100x128xf32, #tpu.memory_space<hbm>>
    %dma_start3A_188 = arith.constant 0 : i32
    %dma_start3A_189 = tpu.memref_slice %arg4[%dma_start3A_188, %add3A_185] : memref<100x16384xf32, #tpu.memory_space<hbm>> -> memref<100x128xf32, #tpu.memory_space<hbm>>
    tpu.enqueue_dma source(%arg9 : memref<100x128xf32, #tpu.memory_space<vmem>>) target(%dma_start3A_189 : memref<100x128xf32, #tpu.memory_space<hbm>>) target_semaphore(%arg14 : memref<!tpu.dma_semaphore, #tpu.memory_space<semaphore_mem>>)
    %add3A_190 = arith.constant 256 : i32
    %add3A_191 = arith.addi %mul3A_2, %add3A_190 : i32
    %dma_wait3A_192 = arith.constant 0 : i32
    %dma_wait3A_193 = tpu.memref_slice %arg4[%dma_wait3A_192, %add3A_191] : memref<100x16384xf32, #tpu.memory_space<hbm>> -> memref<100x128xf32, #tpu.memory_space<hbm>>
    %dma_wait3A_194 = arith.constant 0 : i32
    %dma_wait3A_195 = tpu.memref_slice %arg4[%dma_wait3A_194, %add3A_191] : memref<100x16384xf32, #tpu.memory_space<hbm>> -> memref<100x128xf32, #tpu.memory_space<hbm>>
    tpu.wait_dma2 semaphore(%arg13 : memref<!tpu.dma_semaphore, #tpu.memory_space<semaphore_mem>>) src(%arg8 : memref<100x128xf32, #tpu.memory_space<vmem>>) dst(%dma_wait3A_195 : memref<100x128xf32, #tpu.memory_space<hbm>>)
    %add3A_196 = arith.constant 384 : i32
    %add3A_197 = arith.addi %mul3A_2, %add3A_196 : i32
    %dma_wait3A_198 = arith.constant 0 : i32
    %dma_wait3A_199 = tpu.memref_slice %arg4[%dma_wait3A_198, %add3A_197] : memref<100x16384xf32, #tpu.memory_space<hbm>> -> memref<100x128xf32, #tpu.memory_space<hbm>>
    %dma_wait3A_200 = arith.constant 0 : i32
    %dma_wait3A_201 = tpu.memref_slice %arg4[%dma_wait3A_200, %add3A_197] : memref<100x16384xf32, #tpu.memory_space<hbm>> -> memref<100x128xf32, #tpu.memory_space<hbm>>
    tpu.wait_dma2 semaphore(%arg14 : memref<!tpu.dma_semaphore, #tpu.memory_space<semaphore_mem>>) src(%arg9 : memref<100x128xf32, #tpu.memory_space<vmem>>) dst(%dma_wait3A_201 : memref<100x128xf32, #tpu.memory_space<hbm>>)
    return
  }
}

</mosaic_0001>

<sc_bundles>
// kernel: kernel.3.cloned.1.call-start
scs
__scs_entry_jumppad:
0x0: {  	(pc) =	sbr.rel $0x88, $3  }
0x1: {  	(tag) =	ssettag $0x0;
	lr =	simm.s32 $0x1  }
0x2: {  	[smem:$0x3F9F] =	sst lr;
	_ =	strace $0xD0000000  }
0x3: {  	_ = 	snop  }
0x4: {  	_ = 	snop  }
0x5: {  	_ = 	snop  }
0x6: {  	_ = 	snop  }
0x7: {  	_ = 	snop  }
__scs_overlays_trampoline_lowered:
0x8: {  	[smem:$0x3FAE] =	sst s0  }
0x9: {  	[smem:$0x3FAF] =	sst s1  }
0xa: {  	[smem:$0x3FB0] =	sst s2  }
0xb: {  	[smem:$0x3FB1] =	sst s3  }
0xc: {  	[smem:$0x3FB2] =	sst s4  }
0xd: {  	[smem:$0x3FB3] =	sst s5  }
0xe: {  	[smem:$0x3FB4] =	sst s6  }
0xf: {  	[smem:$0x3FB5] =	sst s7  }
0x10: {  	[smem:$0x3FB6] =	sst s8  }
0x11: {  	[smem:$0x3FB7] =	sst s9;
	s0 =	simm.s32 @!p0 $0x0  }
0x12: {  	s1 =	sld [smem:$0x3F9D];
	s0 =	simm.s32 @p0 $0x1  }
0x13: {  	[smem:$0x3FB8] =	sst s0;
	s0 =	simm.s32 @!p1 $0x0  }
0x14: {  	s2 =	sld [smem:$0x3F9C];
	s0 =	simm.s32 @p1 $0x1  }
0x15: {  	[smem:$0x3FB9] =	sst s0;
	s0 =	simm.s32 @!p2 $0x0  }
0x16: {  	s3 =	sld [smem:$0x3FDB];
	s0 =	simm.s32 @p2 $0x1  }
0x17: {  	s4 =	simm.s32 $0x1BF5;
	[smem:$0x3FBB] =	sst s0  }
0x18: {  	s0 =	sld [smem:$0x3F9E];
	_ =	swait.ge [sflag:s4], $0x0  }
0x19: {  	s7 =	sld [smem:$0x3F9F]  }
0x1a: {  	s8 =	sadd.s32 $0xFFFFE003, lr  }
0x1b: {  	s9 =	sadd.s32 $0xFFFFFEF7, lr;
	s5 =	simm.s32 $0xFFFFFFFF;
	p2 =	slt.u32 s8, $0xFFFFF086  }
0x1c: {  	p1 =	slt.u32 s9, $0xF7A;
	s5 =	simm.s32 @!p2 $0x0  }
0x1d: {  	s5 =	simm.s32 @p1 $0x1;
	p0 =	seq.s32 s7, s2  }
0x1e: {  	s7 =	smul.u32 @!p0 $0xF7A, s2;
	p2 =	seq.s32 @!p0 s5, $0x0  }
0x1f: {  	s9 =	smul.u32 $0xF7A, s1;
	s8 =	simm.s32 @!p0 $0x1BF5;
	p2 =	por !p2, p0  }
0x20: {  	[sflag:s8] =	ssyncset.s32 @!p0 $0xFFFFF086;
	s6 =	sadd.s32 @!p0 s3, s7;
	s7 =	simm.s32 @!p0 $0x108  }
0x21: {  	s3 =	sadd.s32 s3, s9;
	s6 =	sadd.s32 @!p0 $0x88, s6;
	s7 =	simm.s32 @p2 $0x1082  }
0x22: {  	[simem:s7], [sflag:s8] =	dma.local @!p0 [hbm:s6], $0xF7A  }
0x23: {  	s9 =	sor.u32 $0xD0000000, s2;
	s6 =	simm.s32 $0x108;
	_ =	swait.ge @!p0 [sflag:s8], $0x0  }
0x24: {  	s3 =	sadd.s32 $0x88, s3;
	s6 =	simm.s32 @!p1 $0x1082;
	[sflag:s4] =	ssyncset.s32 $0xFFFFF086  }
0x25: {  	[simem:s6], [sflag:s4] =	dma.local [hbm:s3], $0xF7A  }
0x26: {  	[smem:$0x3F9F] =	sst s1;
	(tag) =	ssettag s2;
	_ =	strace s9  }
0x27: {  	s1 =	sld [smem:$0x3FAF]  }
0x28: {  	s2 =	sld [smem:$0x3FB0]  }
0x29: {  	s4 =	sld [smem:$0x3FB2]  }
0x2a: {  	p0 =	seq.s32 s5, $0x0;
	s5 =	sld [smem:$0x3FB3]  }
0x2b: {  	s6 =	sld [smem:$0x3FB4]  }
0x2c: {  	s7 =	sld [smem:$0x3FB5]  }
0x2d: {  	s3 =	simm.s32 $0x108;
	s8 =	sld [smem:$0x3FB6]  }
0x2e: {  	s3 =	simm.s32 @!p0 $0x1082;
	s9 =	sld [smem:$0x3FB7]  }
0x2f: {  	lr =	sadd.s32 s0, s3;
	s0 =	sld [smem:$0x3FAE]  }
0x30: {  	s3 =	sld [smem:$0x3FB1]  }
0x31: {  	[smem:$0x3FBA] =	sst s10  }
0x32: {  	s10 =	sld [smem:$0x3FB8];
	_ =	sdelay $0x3  }
0x33: {  	p0 =	seq.s32 s10, $0x1;
	s10 =	sld [smem:$0x3FBA];
	_ =	sdelay $0x3  }
0x34: {  	[smem:$0x3FBA] =	sst s10  }
0x35: {  	s10 =	sld [smem:$0x3FB9];
	_ =	sdelay $0x3  }
0x36: {  	p1 =	seq.s32 s10, $0x1;
	s10 =	sld [smem:$0x3FBA];
	_ =	sdelay $0x3  }
0x37: {  	[smem:$0x3FBA] =	sst s10  }
0x38: {  	s10 =	sld [smem:$0x3FBB]  }
0x39: {  	_ = 	snop;
	(pc) =	sbr.ind lr, $3  }
0x3a: {  	_ = 	snop  }
0x3b: {  	_ = 	snop  }
0x3c: {  	p2 =	seq.s32 s10, $0x1;
	s10 =	sld [smem:$0x3FBA]  }
0x3d: {  	_ =	shalt  }
0x3e: {  	_ =	shalt  }
0x3f: {  	_ =	shalt  }
0x40: {  	_ =	shalt  }
0x41: {  	_ =	shalt  }
0x42: {  	_ =	shalt  }
0x43: {  	_ =	shalt  }
0x44: {  	_ =	shalt  }
0x45: {  	_ =	shalt  }
0x46: {  	_ =	shalt  }
0x47: {  	_ =	shalt  }
0x48: {  	_ =	shalt  }
0x49: {  	_ =	shalt  }
0x4a: {  	_ =	shalt  }
0x4b: {  	_ =	shalt  }
0x4c: {  	_ =	shalt  }
0x4d: {  	_ =	shalt  }
0x4e: {  	_ =	shalt  }
0x4f: {  	_ =	shalt  }
0x50: {  	_ =	shalt  }
0x51: {  	_ =	shalt  }
0x52: {  	_ =	shalt  }
0x53: {  	_ =	shalt  }
0x54: {  	_ =	shalt  }
0x55: {  	_ =	shalt  }
0x56: {  	_ =	shalt  }
0x57: {  	_ =	shalt  }
0x58: {  	_ =	shalt  }
0x59: {  	_ =	shalt  }
0x5a: {  	_ =	shalt  }
0x5b: {  	_ =	shalt  }
0x5c: {  	_ =	shalt  }
0x5d: {  	_ =	shalt  }
0x5e: {  	_ =	shalt  }
0x5f: {  	_ =	shalt  }
0x60: {  	_ =	shalt  }
0x61: {  	_ =	shalt  }
0x62: {  	_ =	shalt  }
0x63: {  	_ =	shalt  }
0x64: {  	_ =	shalt  }
0x65: {  	_ =	shalt  }
0x66: {  	_ =	shalt  }
0x67: {  	_ =	shalt  }
0x68: {  	_ =	shalt  }
0x69: {  	_ =	shalt  }
0x6a: {  	_ =	shalt  }
0x6b: {  	_ =	shalt  }
0x6c: {  	_ =	shalt  }
0x6d: {  	_ =	shalt  }
0x6e: {  	_ =	shalt  }
0x6f: {  	_ =	shalt  }
0x70: {  	_ =	shalt  }
0x71: {  	_ =	shalt  }
0x72: {  	_ =	shalt  }
0x73: {  	_ =	shalt  }
0x74: {  	_ =	shalt  }
0x75: {  	_ =	shalt  }
0x76: {  	_ =	shalt  }
0x77: {  	_ =	shalt  }
0x78: {  	_ =	shalt  }
0x79: {  	_ =	shalt  }
0x7a: {  	_ =	shalt  }
0x7b: {  	_ =	shalt  }
0x7c: {  	_ =	shalt  }
0x7d: {  	_ =	shalt  }
0x7e: {  	_ =	shalt  }
0x7f: {  	_ =	shalt  }
0x80: {  	_ =	shalt  }
0x81: {  	_ =	shalt  }
0x82: {  	_ =	shalt  }
0x83: {  	_ =	shalt  }
0x84: {  	_ =	shalt  }
0x85: {  	_ =	shalt  }
0x86: {  	_ =	shalt  }
0x87: {  	_ =	shalt  }
.Lfunc_end0:
.L_simem_size_0:
called_computation_lowered:
.L_overlay_start_0:
0x88: {  	s2 =	sld [smem:$0x3FD9]  }
0x89: {  	s3 =	sld [smem:$0x3FFE];
	_ =	sdelay $0x1  }
0x8a: {  	s1 =	srdreg.scid  }
0x8b: {  	s0 =	sand.u32 $0x1, s1  }
0x8c: {  	s18 =	sshll.u32 s0, $0xA;
	s2 =	sadd.s32 s3, s2  }
0x8d: {  	s2 =	sadd.s32 s2, s18  }
0x8e: {  	[smem:$0x3FC6] =	sst s2  }
0x8f: {  	_ = 	snop  }
0x90: {  	s2 =	sld [smem:$0x3FC9]  }
0x91: {  	s19 =	sld [smem:$0x3FC8]  }
0x92: {  	s4 =	sld [smem:$0x3FD0];
	(tm) =	ssettm $0x1  }
0x93: {  	s5 =	sld [smem:$0x3FFB];
	_ =	sdelay $0x3  }
0x94: {  	_ =	strace s5  }
0x95: {  	s5 =	sld [smem:$0x3FFC];
	_ =	sdelay $0x3  }
0x96: {  	_ =	strace s5  }
0x97: {  	s5 =	sld [smem:$0x3FFD];
	_ =	sdelay $0x3  }
0x98: {  	_ =	strace s5  }
0x99: {  	_ =	strace $0x8FFFFFFF  }
0x9a: {  	s20 =	sld [smem:$0x3FDB];
	_ =	sdelay $0x1  }
0x9b: {  	s6 =	simm.s32 $_scs_section_size  }
0x9c: {  	s7 =	simm.s32 $_size__tile_overlayer_lowered;
	s8 =	simm.s32 $_tile_overlayer_lowered  }
0x9d: {  	s23 =	simm.s32 $0x1BFF;
	s22 =	sshll.u32 s8, $0x1;
	s5 =	sadd.s32 s6, s20  }
0x9e: {  	s9 =	simm.s32 $0x0;
	s21 =	sshll.u32 s7, $0x1;
	s7 =	sadd.s32 s22, s5  }
0x9f: {  	[timem:s9], [sflag:s23] =	dma.local [hbm:s7], s21  }
0xa0: {  	_ =	swait.ge [sflag:s23], s21  }
0xa1: {  	s6 =	ssub.s32 $0x0, s21;
	[sflag:s23] =	ssyncset.done $0x0  }
0xa2: {  	[sflag:s23] =	ssyncadd.s32 s6;
	_ =	sdelay $0x1  }
0xa3: {  	s24 =	simm.s32 $0x1B8B  }
0xa4: {  	_ =	swait.ge [sflag:s24], $0x1  }
0xa5: {  	[sflag:s24] =	ssyncset.done $0x0  }
0xa6: {  	s25 =	simm.s32 $0x1B8E;
	[sflag:s24] =	ssyncadd.s32 $0xFFFFFFFF  }
0xa7: {  	s26 =	simm.s32 $execute0_lowered;
	[smem:$0x3FD2] =	sst s25  }
0xa8: {  	s6 =	sshll.u32 s26, $0x1;
	_ =	strace $0x80000046;
	[dreg:$0x1] =	wrdreg $0xFFFFFFFF  }
0xa9: {  	s28 =	simm.s32 $_size_execute0_lowered;
	s5 =	sadd.s32 s5, s6;
	[dreg:$0x0] =	wrdreg $0x0  }
0xaa: {  	s6 =	sshll.u32 s28, $0x1;
	[dreg:$0x2] =	wrdreg s5  }
0xab: {  	[dreg:$0x3] =	wrdreg s6  }
0xac: {  	[dreg:$0x4] =	wrdreg $0xC0  }
0xad: {  	_ =	task [dreg:s9], $0x5FFFF  }
0xae: {  	[dreg:$0x1] =	wrdreg $0xFFFFFFFF  }
0xaf: {  	[dreg:$0x0] =	wrdreg $0x60  }
0xb0: {  	[dreg:$0x2] =	wrdreg s2  }
0xb1: {  	[dreg:$0x3] =	wrdreg s19  }
0xb2: {  	[dreg:$0x4] =	wrdreg s4  }
0xb3: {  	[dreg:$0x5] =	wrdreg $0x0  }
0xb4: {  	[dreg:$0x6] =	wrdreg $0x9  }
0xb5: {  	_ =	task.clear_ibuf [dreg:s9], $0x7FFFF;
	_ =	strace $0x90000046  }
0xb6: {  	s29 =	simm.s32 $0x9;
	_ =	strace $0x80000048  }
0xb7: {  	_ =	swait.ge [sflag:s29], $0x1  }
0xb8: {  	[sflag:s29] =	ssyncadd.s32 $0xFFFFFFFF  }
0xb9: {  	_ =	strace $0x90000048  }
0xba: {  	_ =	sfence  }
0xbb: {  	s30 =	sld [smem:$0x0];
	_ =	sdelay $0x2  }
0xbc: {  	s31 =	sshll.u32 s1, $0xD;
	s1 =	sshrl.u32 s1, $0x2  }
0xbd: {  	s3 =	sand.u32 $0x4000, s31;
	s1 =	sadd.s32 s1, s30  }
0xbe: {  	s0 =	sor.u32 s3, s0;
	s1 =	sshll.u32 s1, $0x11  }
0xbf: {  	s0 =	sor.u32 s1, s0  }
0xc0: {  	s0 =	sadd.s32 $0x8F2B, s0  }
0xc1: {  	[sflag:s0] =	ssyncadd.remote.s32 $0x1  }
0xc2: {  	_ =	sfence.sel $0xFFFF  }
0xc3: {  	[dreg:$0x0] =	wrdreg $0xFFFFFFFF;
	(pc) =	sbr.abs _section_cstart, $3  }
0xc4: {  	[dreg:$0x1] =	wrdreg $0xFFFFFFFF  }
0xc5: {  	_ =	task.clear_ibuf [dreg:s9], $0x2FFFF;
	_ =	strace $0x9FFFFFFF  }
0xc6: {  	(tm) =	ssettm $0x7FFFFFFF  }
0xc7: {  	_ =	shalt  }
tec
execute0_lowered:
.L_overlay_start_1:
0x0: {  	(tag) =	ssettag $0x1  }
0x1: {  	s0 =	rddreg [dreg:$0x0]  }
0x2: {  	s2 =	rddreg [dreg:$0x1]  }
0x3: {  	s5 =	rddreg [dreg:$0x2]  }
0x4: {  	s1 =	rddreg [dreg:$0x3];
	s4 =	srdreg.scid  }
0x5: {  	s3 =	simm.s32 $0x0;
	s16 =	stileid.u32;
	s17 =	simm.s32 $0x20000  }
0x6: {  	s22 =	simm.s32 $0x3;
	s23 =	simm.s32 $0x80;
	s28 =	simm.s32 $0x15C28  }
0x7: {  	s29 =	simm.s32 $0x18C28;
	s30 =	simm.s32 $0x4;
	s31 =	simm.s32 $0x2  }
0x8: {  	s4 =	sand.u32 $0x1, s4;
	[smem:$0x7FF] =	sst s3;
	s7 =	sshll.u32 s16, $0xA  }
0x9: {  	s8 =	smul.u32 $0xF400, s16;
	s19 =	sadd.s32 $0xE4C00, s1;
	p0 =	seq.s32 s16, $0xF  }
0xa: {  	s16 =	simm.s32 $0x400;
	s6 =	ssub.s32 $0x2, s4;
	s4 =	sshll.u32 s4, $0x9  }
0xb: {  	_ =	strace $0x80000047;
	s20 =	sshrl.u32 @p0 s19, $0x3;
	s9 =	sshrl.u32 s6, $0x1  }
0xc: {  	s7 =	sor.u32 s4, s7;
	s24 =	sshrl.u32 s8, $0x3;
	s18 =	sadd.s32 s8, s1  }
0xd: {  	s6 =	ssub.s32 s6, s9;
	s4 =	sadd.s32 s0, s7;
	s25 =	sadd.s32 s2, s24  }
0xe: {  	s2 =	sadd.s32 $0x1C980, s2;
	s26 =	sor.u32 $0x80, s7;
	s13 =	sor.u32 $0x100, s7  }
0xf: {  	s14 =	sor.u32 $0x180, s7;
	s21 =	sshrl.u32 @!p0 s18, $0x3;
	[dreg:$0x6] =	wrdreg s25  }
0x10: {  	s24 =	simm.s32 $0x12828;
	s10 =	sadd.s32 $0x30000, s4;
	[dreg:$0x7] =	wrdreg s2  }
0x11: {  	s8 =	sadd.s32 s0, s26;
	s9 =	sadd.s32 s0, s13;
	s11 =	sadd.s32 s0, s14  }
0x12: {  	s12 =	sadd.s32 s5, s26;
	s13 =	sadd.s32 s5, s13;
	s14 =	sadd.s32 s5, s14  }
0x13: {  	s15 =	smax.u32 s6, $0x1;
	s25 =	simm.s32 $0x15828;
	s26 =	simm.s32 $0x1  }
0x14: {  	s0 =	simm.s32 $0x19028;
	s2 =	simm.s32 $0x1C028;
	s6 =	simm.s32 $0x0  }
0x15: {  	[dreg:$0x5] =	wrdreg s10;
	s10 =	sadd.s32 s5, s7;
	s5 =	simm.s32 $0x5  }
.LBB2_1:
0x16: {  	s7 =	simm.s32 $0xF428  }
0x17: {  	[tilespmem:s7], [sflag:$0x3] =	stream.strided.gather [hbm4b:s4+s16], $0x3000, s17, s16, $0x38;
	[tilespmem:$0x1C428] =	vst v63  }
0x18: {  	s19 =	rddreg [dreg:$0x5];
	s18 =	simm.s32 $0x12428  }
0x19: {  	[tilespmem:s18], [sflag:$0x3] =	stream.linear.gather [hbm4b:s19+s3], $0x200, $0x38;
	[tilespmem:$0x1C428] =	vst v63  }
0x1a: {  	s7 =	simm.s32 @p0 $0x1FC6;
	s18 =	rddreg [dreg:$0x7]  }
0x1b: {  	[spmem:s20], [sflag:s7] =	dma.local @p0 [hbm:s18], $0x1ED0  }
0x1c: {  	s7 =	simm.s32 @p0 $0x6  }
0x1d: {  	s18 =	stileid.u32;
	_ =	swait.ge @p0 [sflag:s7], $0x1ED0  }
0x1e: {  	s18 =	sshll.u32 @!p0 s18, $0x6;
	[sflag:s7] =	ssyncset.done @p0 $0x0  }
0x1f: {  	[sflag:s7] =	ssyncadd.s32 @p0 $0xFFFFE130;
	s7 =	sor.u32 @!p0 $0x1C06, s18;
	s18 =	rddreg [dreg:$0x6]  }
0x20: {  	[spmem:s21], [sflag:s7] =	dma.local @!p0 [hbm:s18], $0x1E80  }
0x21: {  	s7 =	simm.s32 @!p0 $0x6  }
0x22: {  	_ =	swait.ge @!p0 [sflag:s7], $0x1E80  }
0x23: {  	[sflag:s7] =	ssyncset.done @!p0 $0x0  }
0x24: {  	[sflag:s7] =	ssyncadd.s32 @!p0 $0xFFFFE180  }
0x25: {  	[bflag:$0x0] =	sbarrier.arrive $0xFFFF  }
0x26: {  	_ =	swait.ge [sflag:s22], $0x3200  }
0x27: {  	s19 =	simm.s32 $0xF428;
	[sflag:s22] =	ssyncset.done $0x0  }
0x28: {  	s18 =	simm.s32 $0x15C28;
	s7 =	simm.s32 $0x200;
	[sflag:s22] =	ssyncadd.s32 $0xFFFFCE00  }
.LBB2_2:
0x29: {  	[tilespmem:s18], [sflag:$0x1] =	stream.indirect.gather [spmem:s1], $0x1, s19, s23, $0xb8;
	[tilespmem:$0x1C428] =	vst v63  }
0x2a: {  	s18 =	smov.u32 s7;
	p1 =	sne.s32 s7, $0xC600  }
.Ltmp0:
0x2b: {  	s7 =	sadd.s32 $0x200, s7;
	(pc) =	sbr.rel @p1 .LBB2_2-.Ltmp0, $3  }
0x2c: {  	_ =	sdelay $0x1  }
0x2d: {  	s19 =	sshra.s32 s18, $0x2  }
0x2e: {  	s18 =	sadd.s32 $0x15C28, s19;
	s19 =	sadd.s32 $0xF428, s19  }
0x2f: {  	[tilespmem:s18], [sflag:$0x1] =	stream.indirect.gather [spmem:s1], $0x1, s19, s23, $0xb8;
	[tilespmem:$0x1C428] =	vst v63  }
0x30: {  	_ = 	snop  }
0x31: {  	[tilespmem:s24], [sflag:$0x3] =	stream.strided.gather [hbm4b:s8+s16], $0x3000, s17, s16, $0x38;
	[tilespmem:$0x1C428] =	vst v63  }
0x32: {  	s19 =	sadd.s32 $0x30000, s8;
	s7 =	simm.s32 $0x0  }
0x33: {  	[tilespmem:s25], [sflag:$0x3] =	stream.linear.gather [hbm4b:s19+s7], $0x200, $0x38;
	[tilespmem:$0x1C428] =	vst v63  }
0x34: {  	_ =	swait.ge [sflag:s22], $0x3200  }
0x35: {  	[sflag:s22] =	ssyncset.done $0x0  }
0x36: {  	[sflag:s22] =	ssyncadd.s32 $0xFFFFCE00  }
.LBB2_4:
0x37: {  	p1 =	sne.s32 s7, $0xC600  }
.Ltmp1:
0x38: {  	_ = 	snop;
	(pc) =	sbr.rel @p1 .LBB2_4-.Ltmp1, $4  }
0x39: {  	_ = 	snop  }
0x3a: {  	s18 =	sshra.s32 s7, $0x2  }
0x3b: {  	s7 =	sadd.s32 $0x200, s7;
	s19 =	sadd.s32 $0x19028, s18;
	s18 =	sadd.s32 $0x12828, s18  }
0x3c: {  	[tilespmem:s19], [sflag:$0x2] =	stream.indirect.gather [spmem:s1], $0x1, s18, s23, $0xb8;
	[tilespmem:$0x1C428] =	vst v63  }
0x3d: {  	_ =	swait.ge [sflag:s26], $0x80  }
0x3e: {  	[sflag:s26] =	ssyncset.done $0x0  }
0x3f: {  	[sflag:s26] =	ssyncadd.s32 $0xFFFFFF80  }
0x40: {  	_ =	swait.ge [sflag:s26], $0x80  }
0x41: {  	[sflag:s26] =	ssyncset.done $0x0  }
0x42: {  	[sflag:s26] =	ssyncadd.s32 $0xFFFFFF80  }
0x43: {  	_ =	swait.ge [sflag:s26], $0x80  }
0x44: {  	[sflag:s26] =	ssyncset.done $0x0  }
0x45: {  	[sflag:s26] =	ssyncadd.s32 $0xFFFFFF80  }
0x46: {  	_ =	swait.ge [sflag:s26], $0x80  }
0x47: {  	s7 =	simm.s32 $0x18;
	[sflag:s26] =	ssyncset.done $0x0  }
.LBB2_6:
0x48: {  	p1 =	sne.s32 s7, $0x1;
	s7 =	sadd.s32 $0xFFFFFFFF, s7;
	[sflag:s26] =	ssyncadd.s32 $0xFFFFFF80  }
0x49: {  	_ =	swait.ge [sflag:s26], $0x80  }
0x4a: {  	[sflag:s26] =	ssyncset.done $0x0  }
0x4b: {  	[sflag:s26] =	ssyncadd.s32 $0xFFFFFF80  }
0x4c: {  	_ =	swait.ge [sflag:s26], $0x80  }
0x4d: {  	[sflag:s26] =	ssyncset.done $0x0  }
0x4e: {  	[sflag:s26] =	ssyncadd.s32 $0xFFFFFF80  }
.Ltmp2:
0x4f: {  	_ =	swait.ge [sflag:s26], $0x80;
	(pc) =	sbr.rel @p1 .LBB2_6-.Ltmp2, $4  }
0x50: {  	[sflag:s26] =	ssyncset.done $0x0  }
0x51: {  	[sflag:s26] =	ssyncadd.s32 $0xFFFFFF80  }
0x52: {  	_ =	swait.ge [sflag:s26], $0x80  }
0x53: {  	[sflag:s26] =	ssyncset.done $0x0  }
0x54: {  	[sflag:s26] =	ssyncadd.s32 $0xFFFFFF80;
	s7 =	simm.s32 $0xF428  }
0x55: {  	[tilespmem:s7], [sflag:$0x3] =	stream.strided.gather [hbm4b:s9+s16], $0x3000, s17, s16, $0x38;
	[tilespmem:$0x1C428] =	vst v63  }
0x56: {  	s18 =	simm.s32 $0x0;
	s19 =	simm.s32 $0x12428;
	s7 =	sadd.s32 $0x30000, s9  }
0x57: {  	[tilespmem:s19], [sflag:$0x3] =	stream.linear.gather [hbm4b:s7+s18], $0x200, $0x38;
	[tilespmem:$0x1C428] =	vst v63  }
0x58: {  	s19 =	sand.u32 $0x3FC0, s18  }
0x59: {  	v0 =	vld [tilespmem:s19+$0x15C28];
	_ =	sdelay $0x4  }
0x5a: {  	v0 =	vmax.f32 v0, $9.999999960e-13  }
0x5b: {  	v0 =	vmin.f32 v0, $1.000000000e+00  }
0x5c: {  	s18 =	sadd.s32 $0x15C28, s19;
	[tilespmem:s19+$0x15C28] =	vst v0  }
0x5d: {  	v0 =	vld [tilespmem:s18+$0x30];
	_ =	sdelay $0x3  }
0x5e: {  	v1 =	vld [tilespmem:s18+$0x10]  }
0x5f: {  	v3 =	vmax.f32 v0, $9.999999960e-13;
	v0 =	vld [tilespmem:s18+$0x20];
	_ =	sdelay $0x3  }
0x60: {  	s7 =	simm.s32 $0x40;
	v2 =	vmax.f32 v1, $9.999999960e-13;
	v1 =	vmin.f32 v3, $1.000000000e+00  }
.LBB2_8:
0x61: {  	p1 =	sne.s32 s7, $0x31C0;
	v2 =	vmin.f32 v2, $1.000000000e+00;
	v0 =	vmax.f32 v0, $9.999999960e-13;
	[tilespmem:s18+$0x30] =	vst v1;
	s19 =	smov.u32 s7;
	s7 =	sadd.s32 $0x40, s7  }
0x62: {  	[tilespmem:s18+$0x10] =	vst v2;
	v0 =	vmin.f32 v0, $1.000000000e+00  }
0x63: {  	s19 =	sand.u32 $0x3FC0, s19;
	[tilespmem:s18+$0x20] =	vst v0  }
0x64: {  	v0 =	vld [tilespmem:s19+$0x15C28];
	_ =	sdelay $0x4  }
0x65: {  	v0 =	vmax.f32 v0, $9.999999960e-13  }
0x66: {  	v0 =	vmin.f32 v0, $1.000000000e+00  }
0x67: {  	s18 =	sadd.s32 $0x15C28, s19;
	[tilespmem:s19+$0x15C28] =	vst v0  }
0x68: {  	v1 =	vld [tilespmem:s18+$0x30]  }
0x69: {  	v2 =	vld [tilespmem:s18+$0x10]  }
.Ltmp3:
0x6a: {  	v0 =	vld [tilespmem:s18+$0x20];
	(pc) =	sbr.rel @p1 .LBB2_8-.Ltmp3, $3  }
0x6b: {  	_ =	sdelay $0x1  }
0x6c: {  	v1 =	vmax.f32 v1, $9.999999960e-13  }
0x6d: {  	v2 =	vmax.f32 v2, $9.999999960e-13;
	v1 =	vmin.f32 v1, $1.000000000e+00  }
0x6e: {  	v2 =	vmin.f32 v2, $1.000000000e+00;
	v0 =	vmax.f32 v0, $9.999999960e-13;
	[tilespmem:s18+$0x30] =	vst v1  }
0x6f: {  	[tilespmem:s18+$0x10] =	vst v2;
	v0 =	vmin.f32 v0, $1.000000000e+00  }
0x70: {  	[tilespmem:s18+$0x20] =	vst v0  }
0x71: {  	[hbm4b:s10+s16] =	stream.strided.scatter [tilespmem:s28], [sflag:$0x4], $0x3000, s17, s16, $0x38;
	[tilespmem:$0x1C428] =	vst v63  }
0x72: {  	s19 =	sadd.s32 $0x30000, s10;
	s7 =	simm.s32 $0x0  }
0x73: {  	[hbm4b:s19+s7] =	stream.linear.scatter [tilespmem:s29], [sflag:$0x4], $0x200, $0x38;
	[tilespmem:$0x1C428] =	vst v63  }
0x74: {  	_ =	swait.ge [sflag:s30], $0x3200  }
0x75: {  	[sflag:s30] =	ssyncset.done $0x0  }
0x76: {  	[sflag:s30] =	ssyncadd.s32 $0xFFFFCE00  }
0x77: {  	_ =	swait.ge [sflag:s22], $0x3200  }
0x78: {  	[sflag:s22] =	ssyncset.done $0x0  }
0x79: {  	[sflag:s22] =	ssyncadd.s32 $0xFFFFCE00  }
.LBB2_10:
0x7a: {  	p1 =	sne.s32 s7, $0xC600  }
.Ltmp4:
0x7b: {  	_ = 	snop;
	(pc) =	sbr.rel @p1 .LBB2_10-.Ltmp4, $4  }
0x7c: {  	_ = 	snop  }
0x7d: {  	s18 =	sshra.s32 s7, $0x2  }
0x7e: {  	s7 =	sadd.s32 $0x200, s7;
	s19 =	sadd.s32 $0x15C28, s18;
	s18 =	sadd.s32 $0xF428, s18  }
0x7f: {  	[tilespmem:s19], [sflag:$0x1] =	stream.indirect.gather [spmem:s1], $0x1, s18, s23, $0xb8;
	[tilespmem:$0x1C428] =	vst v63  }
0x80: {  	_ =	swait.ge [sflag:s31], $0x80  }
0x81: {  	[sflag:s31] =	ssyncset.done $0x0  }
0x82: {  	[sflag:s31] =	ssyncadd.s32 $0xFFFFFF80  }
0x83: {  	_ =	swait.ge [sflag:s31], $0x80  }
0x84: {  	[sflag:s31] =	ssyncset.done $0x0  }
0x85: {  	[sflag:s31] =	ssyncadd.s32 $0xFFFFFF80  }
0x86: {  	_ =	swait.ge [sflag:s31], $0x80  }
0x87: {  	[sflag:s31] =	ssyncset.done $0x0  }
0x88: {  	[sflag:s31] =	ssyncadd.s32 $0xFFFFFF80  }
0x89: {  	_ =	swait.ge [sflag:s31], $0x80  }
0x8a: {  	s7 =	simm.s32 $0x18;
	[sflag:s31] =	ssyncset.done $0x0  }
.LBB2_12:
0x8b: {  	p1 =	sne.s32 s7, $0x1;
	s7 =	sadd.s32 $0xFFFFFFFF, s7;
	[sflag:s31] =	ssyncadd.s32 $0xFFFFFF80  }
0x8c: {  	_ =	swait.ge [sflag:s31], $0x80  }
0x8d: {  	[sflag:s31] =	ssyncset.done $0x0  }
0x8e: {  	[sflag:s31] =	ssyncadd.s32 $0xFFFFFF80  }
0x8f: {  	_ =	swait.ge [sflag:s31], $0x80  }
0x90: {  	[sflag:s31] =	ssyncset.done $0x0  }
0x91: {  	[sflag:s31] =	ssyncadd.s32 $0xFFFFFF80  }
.Ltmp5:
0x92: {  	_ =	swait.ge [sflag:s31], $0x80;
	(pc) =	sbr.rel @p1 .LBB2_12-.Ltmp5, $4  }
0x93: {  	[sflag:s31] =	ssyncset.done $0x0  }
0x94: {  	[sflag:s31] =	ssyncadd.s32 $0xFFFFFF80  }
0x95: {  	_ =	swait.ge [sflag:s31], $0x80  }
0x96: {  	[sflag:s31] =	ssyncset.done $0x0  }
0x97: {  	[sflag:s31] =	ssyncadd.s32 $0xFFFFFF80;
	s18 =	simm.s32 $0x0  }
0x98: {  	[tilespmem:s24], [sflag:$0x3] =	stream.strided.gather [hbm4b:s11+s16], $0x3000, s17, s16, $0x38;
	[tilespmem:$0x1C428] =	vst v63  }
0x99: {  	s7 =	sadd.s32 $0x30000, s11;
	s19 =	sand.u32 $0x3FC0, s18  }
0x9a: {  	[tilespmem:s25], [sflag:$0x3] =	stream.linear.gather [hbm4b:s7+s18], $0x200, $0x38;
	[tilespmem:$0x1C428] =	vst v63  }
0x9b: {  	v0 =	vld [tilespmem:s19+$0x19028];
	_ =	sdelay $0x4  }
0x9c: {  	v0 =	vmax.f32 v0, $9.999999960e-13  }
0x9d: {  	v0 =	vmin.f32 v0, $1.000000000e+00  }
0x9e: {  	s18 =	sadd.s32 $0x19028, s19;
	[tilespmem:s19+$0x19028] =	vst v0  }
0x9f: {  	v0 =	vld [tilespmem:s18+$0x30];
	_ =	sdelay $0x3  }
0xa0: {  	v1 =	vld [tilespmem:s18+$0x10]  }
0xa1: {  	v3 =	vmax.f32 v0, $9.999999960e-13;
	v0 =	vld [tilespmem:s18+$0x20];
	_ =	sdelay $0x3  }
0xa2: {  	s7 =	simm.s32 $0x40;
	v2 =	vmax.f32 v1, $9.999999960e-13;
	v1 =	vmin.f32 v3, $1.000000000e+00  }
.LBB2_14:
0xa3: {  	p1 =	sne.s32 s7, $0x31C0;
	v2 =	vmin.f32 v2, $1.000000000e+00;
	v0 =	vmax.f32 v0, $9.999999960e-13;
	[tilespmem:s18+$0x30] =	vst v1;
	s19 =	smov.u32 s7;
	s7 =	sadd.s32 $0x40, s7  }
0xa4: {  	[tilespmem:s18+$0x10] =	vst v2;
	v0 =	vmin.f32 v0, $1.000000000e+00  }
0xa5: {  	s19 =	sand.u32 $0x3FC0, s19;
	[tilespmem:s18+$0x20] =	vst v0  }
0xa6: {  	v0 =	vld [tilespmem:s19+$0x19028];
	_ =	sdelay $0x4  }
0xa7: {  	v0 =	vmax.f32 v0, $9.999999960e-13  }
0xa8: {  	v0 =	vmin.f32 v0, $1.000000000e+00  }
0xa9: {  	s18 =	sadd.s32 $0x19028, s19;
	[tilespmem:s19+$0x19028] =	vst v0  }
0xaa: {  	v1 =	vld [tilespmem:s18+$0x30]  }
0xab: {  	v2 =	vld [tilespmem:s18+$0x10]  }
.Ltmp6:
0xac: {  	v0 =	vld [tilespmem:s18+$0x20];
	(pc) =	sbr.rel @p1 .LBB2_14-.Ltmp6, $3  }
0xad: {  	_ =	sdelay $0x1  }
0xae: {  	v1 =	vmax.f32 v1, $9.999999960e-13  }
0xaf: {  	v2 =	vmax.f32 v2, $9.999999960e-13;
	v1 =	vmin.f32 v1, $1.000000000e+00  }
0xb0: {  	v2 =	vmin.f32 v2, $1.000000000e+00;
	v0 =	vmax.f32 v0, $9.999999960e-13;
	[tilespmem:s18+$0x30] =	vst v1  }
0xb1: {  	[tilespmem:s18+$0x10] =	vst v2;
	v0 =	vmin.f32 v0, $1.000000000e+00  }
0xb2: {  	[tilespmem:s18+$0x20] =	vst v0  }
0xb3: {  	[hbm4b:s12+s16] =	stream.strided.scatter [tilespmem:s0], [sflag:$0x5], $0x3000, s17, s16, $0x38;
	[tilespmem:$0x1C428] =	vst v63  }
0xb4: {  	s19 =	sadd.s32 $0x30000, s12;
	s7 =	simm.s32 $0x0  }
0xb5: {  	[hbm4b:s19+s7] =	stream.linear.scatter [tilespmem:s2], [sflag:$0x5], $0x200, $0x38;
	[tilespmem:$0x1C428] =	vst v63  }
0xb6: {  	_ =	swait.ge [sflag:s5], $0x3200  }
0xb7: {  	[sflag:s5] =	ssyncset.done $0x0  }
0xb8: {  	[sflag:s5] =	ssyncadd.s32 $0xFFFFCE00  }
0xb9: {  	_ =	swait.ge [sflag:s22], $0x3200  }
0xba: {  	[sflag:s22] =	ssyncset.done $0x0  }
0xbb: {  	[sflag:s22] =	ssyncadd.s32 $0xFFFFCE00  }
.LBB2_16:
0xbc: {  	p1 =	sne.s32 s7, $0xC600  }
.Ltmp7:
0xbd: {  	_ = 	snop;
	(pc) =	sbr.rel @p1 .LBB2_16-.Ltmp7, $4  }
0xbe: {  	_ = 	snop  }
0xbf: {  	s18 =	sshra.s32 s7, $0x2  }
0xc0: {  	s7 =	sadd.s32 $0x200, s7;
	s19 =	sadd.s32 $0x19028, s18;
	s18 =	sadd.s32 $0x12828, s18  }
0xc1: {  	[tilespmem:s19], [sflag:$0x2] =	stream.indirect.gather [spmem:s1], $0x1, s18, s23, $0xb8;
	[tilespmem:$0x1C428] =	vst v63  }
0xc2: {  	_ =	swait.ge [sflag:s26], $0x80  }
0xc3: {  	[sflag:s26] =	ssyncset.done $0x0  }
0xc4: {  	[sflag:s26] =	ssyncadd.s32 $0xFFFFFF80  }
0xc5: {  	_ =	swait.ge [sflag:s26], $0x80  }
0xc6: {  	[sflag:s26] =	ssyncset.done $0x0  }
0xc7: {  	[sflag:s26] =	ssyncadd.s32 $0xFFFFFF80  }
0xc8: {  	_ =	swait.ge [sflag:s26], $0x80  }
0xc9: {  	[sflag:s26] =	ssyncset.done $0x0  }
0xca: {  	[sflag:s26] =	ssyncadd.s32 $0xFFFFFF80  }
0xcb: {  	_ =	swait.ge [sflag:s26], $0x80  }
0xcc: {  	s7 =	simm.s32 $0x18;
	[sflag:s26] =	ssyncset.done $0x0  }
.LBB2_18:
0xcd: {  	p1 =	sne.s32 s7, $0x1;
	s7 =	sadd.s32 $0xFFFFFFFF, s7;
	[sflag:s26] =	ssyncadd.s32 $0xFFFFFF80  }
0xce: {  	_ =	swait.ge [sflag:s26], $0x80  }
0xcf: {  	[sflag:s26] =	ssyncset.done $0x0  }
0xd0: {  	[sflag:s26] =	ssyncadd.s32 $0xFFFFFF80  }
0xd1: {  	_ =	swait.ge [sflag:s26], $0x80  }
0xd2: {  	[sflag:s26] =	ssyncset.done $0x0  }
0xd3: {  	[sflag:s26] =	ssyncadd.s32 $0xFFFFFF80  }
.Ltmp8:
0xd4: {  	_ =	swait.ge [sflag:s26], $0x80;
	(pc) =	sbr.rel @p1 .LBB2_18-.Ltmp8, $4  }
0xd5: {  	[sflag:s26] =	ssyncset.done $0x0  }
0xd6: {  	[sflag:s26] =	ssyncadd.s32 $0xFFFFFF80  }
0xd7: {  	_ =	swait.ge [sflag:s26], $0x80  }
0xd8: {  	[sflag:s26] =	ssyncset.done $0x0  }
0xd9: {  	s7 =	simm.s32 $0x0  }
0xda: {  	[sflag:s26] =	ssyncadd.s32 $0xFFFFFF80;
	s7 =	sand.u32 $0x3FC0, s7  }
0xdb: {  	v0 =	vld [tilespmem:s7+$0x15C28];
	_ =	sdelay $0x4  }
0xdc: {  	v0 =	vmax.f32 v0, $9.999999960e-13  }
0xdd: {  	v0 =	vmin.f32 v0, $1.000000000e+00  }
0xde: {  	s18 =	sadd.s32 $0x15C28, s7;
	[tilespmem:s7+$0x15C28] =	vst v0  }
0xdf: {  	v0 =	vld [tilespmem:s18+$0x30];
	_ =	sdelay $0x3  }
0xe0: {  	v1 =	vld [tilespmem:s18+$0x10]  }
0xe1: {  	v3 =	vmax.f32 v0, $9.999999960e-13;
	v0 =	vld [tilespmem:s18+$0x20];
	_ =	sdelay $0x3  }
0xe2: {  	s7 =	simm.s32 $0x40;
	v2 =	vmax.f32 v1, $9.999999960e-13;
	v1 =	vmin.f32 v3, $1.000000000e+00  }
.LBB2_20:
0xe3: {  	p1 =	sne.s32 s7, $0x31C0;
	v2 =	vmin.f32 v2, $1.000000000e+00;
	v0 =	vmax.f32 v0, $9.999999960e-13;
	[tilespmem:s18+$0x30] =	vst v1;
	s19 =	smov.u32 s7;
	s7 =	sadd.s32 $0x40, s7  }
0xe4: {  	[tilespmem:s18+$0x10] =	vst v2;
	v0 =	vmin.f32 v0, $1.000000000e+00  }
0xe5: {  	s19 =	sand.u32 $0x3FC0, s19;
	[tilespmem:s18+$0x20] =	vst v0  }
0xe6: {  	v0 =	vld [tilespmem:s19+$0x15C28];
	_ =	sdelay $0x4  }
0xe7: {  	v0 =	vmax.f32 v0, $9.999999960e-13  }
0xe8: {  	v0 =	vmin.f32 v0, $1.000000000e+00  }
0xe9: {  	s18 =	sadd.s32 $0x15C28, s19;
	[tilespmem:s19+$0x15C28] =	vst v0  }
0xea: {  	v1 =	vld [tilespmem:s18+$0x30]  }
0xeb: {  	v2 =	vld [tilespmem:s18+$0x10]  }
.Ltmp9:
0xec: {  	v0 =	vld [tilespmem:s18+$0x20];
	(pc) =	sbr.rel @p1 .LBB2_20-.Ltmp9, $3  }
0xed: {  	_ =	sdelay $0x1  }
0xee: {  	v1 =	vmax.f32 v1, $9.999999960e-13  }
0xef: {  	v2 =	vmax.f32 v2, $9.999999960e-13;
	v1 =	vmin.f32 v1, $1.000000000e+00  }
0xf0: {  	v2 =	vmin.f32 v2, $1.000000000e+00;
	v0 =	vmax.f32 v0, $9.999999960e-13;
	[tilespmem:s18+$0x30] =	vst v1  }
0xf1: {  	[tilespmem:s18+$0x10] =	vst v2;
	v0 =	vmin.f32 v0, $1.000000000e+00  }
0xf2: {  	[tilespmem:s18+$0x20] =	vst v0  }
0xf3: {  	[hbm4b:s13+s16] =	stream.strided.scatter [tilespmem:s28], [sflag:$0x4], $0x3000, s17, s16, $0x38;
	[tilespmem:$0x1C428] =	vst v63  }
0xf4: {  	s7 =	sadd.s32 $0x30000, s13  }
0xf5: {  	[hbm4b:s7+s3] =	stream.linear.scatter [tilespmem:s29], [sflag:$0x4], $0x200, $0x38;
	[tilespmem:$0x1C428] =	vst v63  }
0xf6: {  	_ =	swait.ge [sflag:s31], $0x80  }
0xf7: {  	[sflag:s31] =	ssyncset.done $0x0  }
0xf8: {  	[sflag:s31] =	ssyncadd.s32 $0xFFFFFF80  }
0xf9: {  	_ =	swait.ge [sflag:s31], $0x80  }
0xfa: {  	[sflag:s31] =	ssyncset.done $0x0  }
0xfb: {  	[sflag:s31] =	ssyncadd.s32 $0xFFFFFF80  }
0xfc: {  	_ =	swait.ge [sflag:s31], $0x80  }
0xfd: {  	[sflag:s31] =	ssyncset.done $0x0  }
0xfe: {  	[sflag:s31] =	ssyncadd.s32 $0xFFFFFF80  }
0xff: {  	_ =	swait.ge [sflag:s31], $0x80  }
0x100: {  	s7 =	simm.s32 $0x18;
	[sflag:s31] =	ssyncset.done $0x0  }
.LBB2_22:
0x101: {  	p1 =	sne.s32 s7, $0x1;
	s7 =	sadd.s32 $0xFFFFFFFF, s7;
	[sflag:s31] =	ssyncadd.s32 $0xFFFFFF80  }
0x102: {  	_ =	swait.ge [sflag:s31], $0x80  }
0x103: {  	[sflag:s31] =	ssyncset.done $0x0  }
0x104: {  	[sflag:s31] =	ssyncadd.s32 $0xFFFFFF80  }
0x105: {  	_ =	swait.ge [sflag:s31], $0x80  }
0x106: {  	[sflag:s31] =	ssyncset.done $0x0  }
0x107: {  	[sflag:s31] =	ssyncadd.s32 $0xFFFFFF80  }
.Ltmp10:
0x108: {  	_ =	swait.ge [sflag:s31], $0x80;
	(pc) =	sbr.rel @p1 .LBB2_22-.Ltmp10, $4  }
0x109: {  	[sflag:s31] =	ssyncset.done $0x0  }
0x10a: {  	[sflag:s31] =	ssyncadd.s32 $0xFFFFFF80  }
0x10b: {  	_ =	swait.ge [sflag:s31], $0x80  }
0x10c: {  	[sflag:s31] =	ssyncset.done $0x0  }
0x10d: {  	s7 =	simm.s32 $0x0  }
0x10e: {  	[sflag:s31] =	ssyncadd.s32 $0xFFFFFF80;
	s7 =	sand.u32 $0x3FC0, s7  }
0x10f: {  	v0 =	vld [tilespmem:s7+$0x19028];
	_ =	sdelay $0x4  }
0x110: {  	v0 =	vmax.f32 v0, $9.999999960e-13  }
0x111: {  	v0 =	vmin.f32 v0, $1.000000000e+00  }
0x112: {  	s18 =	sadd.s32 $0x19028, s7;
	[tilespmem:s7+$0x19028] =	vst v0  }
0x113: {  	v0 =	vld [tilespmem:s18+$0x30];
	_ =	sdelay $0x3  }
0x114: {  	v1 =	vld [tilespmem:s18+$0x10]  }
0x115: {  	v3 =	vmax.f32 v0, $9.999999960e-13;
	v0 =	vld [tilespmem:s18+$0x20];
	_ =	sdelay $0x3  }
0x116: {  	s7 =	simm.s32 $0x40;
	v2 =	vmax.f32 v1, $9.999999960e-13;
	v1 =	vmin.f32 v3, $1.000000000e+00  }
.LBB2_24:
0x117: {  	p1 =	sne.s32 s7, $0x31C0;
	v2 =	vmin.f32 v2, $1.000000000e+00;
	v0 =	vmax.f32 v0, $9.999999960e-13;
	[tilespmem:s18+$0x30] =	vst v1;
	s19 =	smov.u32 s7;
	s7 =	sadd.s32 $0x40, s7  }
0x118: {  	[tilespmem:s18+$0x10] =	vst v2;
	v0 =	vmin.f32 v0, $1.000000000e+00  }
0x119: {  	s19 =	sand.u32 $0x3FC0, s19;
	[tilespmem:s18+$0x20] =	vst v0  }
0x11a: {  	v0 =	vld [tilespmem:s19+$0x19028];
	_ =	sdelay $0x4  }
0x11b: {  	v0 =	vmax.f32 v0, $9.999999960e-13  }
0x11c: {  	v0 =	vmin.f32 v0, $1.000000000e+00  }
0x11d: {  	s18 =	sadd.s32 $0x19028, s19;
	[tilespmem:s19+$0x19028] =	vst v0  }
0x11e: {  	v1 =	vld [tilespmem:s18+$0x30]  }
0x11f: {  	v2 =	vld [tilespmem:s18+$0x10]  }
.Ltmp11:
0x120: {  	v0 =	vld [tilespmem:s18+$0x20];
	(pc) =	sbr.rel @p1 .LBB2_24-.Ltmp11, $3  }
0x121: {  	_ =	sdelay $0x1  }
0x122: {  	v1 =	vmax.f32 v1, $9.999999960e-13  }
0x123: {  	v2 =	vmax.f32 v2, $9.999999960e-13;
	v1 =	vmin.f32 v1, $1.000000000e+00  }
0x124: {  	v2 =	vmin.f32 v2, $1.000000000e+00;
	v0 =	vmax.f32 v0, $9.999999960e-13;
	[tilespmem:s18+$0x30] =	vst v1  }
0x125: {  	[tilespmem:s18+$0x10] =	vst v2;
	v0 =	vmin.f32 v0, $1.000000000e+00  }
0x126: {  	[tilespmem:s18+$0x20] =	vst v0  }
0x127: {  	[hbm4b:s14+s16] =	stream.strided.scatter [tilespmem:s0], [sflag:$0x5], $0x3000, s17, s16, $0x38;
	[tilespmem:$0x1C428] =	vst v63  }
0x128: {  	s7 =	sadd.s32 $0x30000, s14;
	s6 =	sadd.s32 $0x1, s6  }
0x129: {  	[hbm4b:s7+s3] =	stream.linear.scatter [tilespmem:s2], [sflag:$0x5], $0x200, $0x38;
	[tilespmem:$0x1C428] =	vst v63  }
0x12a: {  	p1 =	sne.s32 s6, s15;
	_ =	swait.ge [sflag:s30], $0x3200  }
.Ltmp12:
0x12b: {  	[sflag:s30] =	ssyncset.done $0x0;
	(pc) =	sbr.rel @p1 .LBB2_1-.Ltmp12, $4  }
0x12c: {  	[sflag:s30] =	ssyncadd.s32 $0xFFFFCE00  }
0x12d: {  	_ =	swait.ge [sflag:s5], $0x3200  }
0x12e: {  	[sflag:s5] =	ssyncset.done $0x0  }
0x12f: {  	[sflag:s5] =	ssyncadd.s32 $0xFFFFCE00  }
0x130: {  	_ =	sfence.sel $0x180000  }
0x131: {  	[bflag:$0x0] =	sbarrier.arrive $0xFFFF  }
0x132: {  	_ =	strace $0x90000047  }
0x133: {  	s0 =	stileid.u32;
	[bflag:$0x2] =	sbarrier.arrive $0xFFFF  }
0x134: {  	p0 =	sne.s32 s0, $0x0;
	s0 =	rddreg [dreg:$0x4]  }
0x135: {  	s0 =	sadd.s32 @!p0 $0x100000, s0  }
0x136: {  	[sflag:s0] =	ssyncadd.tile.s32 @!p0 $0x1;
	_ =	shalt  }
.Lfunc_end2:
_tile_overlayer_lowered:
.L_overlay_start_2:
0x137: {  	(tag) =	ssettag $0x2  }
0x138: {  	s0 =	rddreg [dreg:$0x0];
	s2 =	stileid.u32  }
0x139: {  	s1 =	rddreg [dreg:$0x1];
	p0 =	sne.s32 s2, $0x0  }
0x13a: {  	s3 =	rddreg [dreg:$0x2];
	[bflag:$0x3] =	sbarrier.arrive $0xFFFF;
	s2 =	simm.s32 @!p0 $0x1C06  }
0x13b: {  	[timem:s3], [sflag:s2] =	dma.local @!p0 [hbm:s0], s1  }
0x13c: {  	s0 =	simm.s32 @!p0 $0x6  }
0x13d: {  	_ =	swait.ge @!p0 [sflag:s0], s1  }
0x13e: {  	s1 =	ssub.s32 @!p0 $0x0, s1;
	[sflag:s0] =	ssyncset.done @!p0 $0x0  }
0x13f: {  	[sflag:s0] =	ssyncadd.s32 @!p0 s1  }
0x140: {  	[bflag:$0x3] =	sbarrier.arrive $0xFFFF  }
0x141: {  	_ =	shalt  }

</sc_bundles>
